<compile_context>
chip_gen: v7x
topology: tpu7x:2x2x1
jax: 0.10.2.dev20260603
libtpu: 0.0.44.dev20260713+nightly
codegen_flags: <defaults>
</compile_context>

<pallas_src>
import functools

import jax
import jax.numpy as jnp
from jax import lax
from jax.experimental import pallas as pl
from jax.experimental.pallas import tpu as pltpu
from jax.experimental.pallas import tpu_sc as plsc

B, S, D = 4, 8192, 2048
S_BLK = 512
NS = S // S_BLK

NC, NSUB, L = 2, 16, 16
NW = NC * NSUB
ROWS_PER_W = (B * S) // NW
CHUNKS = ROWS_PER_W // 128


def _copy_reduce_kernel(idx_ref, x_ref, out_ref, vals_ref, acc_ref, mins_ref):
    j = pl.program_id(0)
    s = pl.program_id(1)
    blk = x_ref[0]
    out_ref[0] = blk
    part = jnp.min(blk, axis=0, keepdims=True)

    @pl.when(s == 0)
    def _():
        acc_ref[...] = part

    @pl.when(s != 0)
    def _():
        acc_ref[...] = jnp.minimum(acc_ref[...], part)

    @pl.when(s == NS - 1)
    def _():
        acc = acc_ref[...]
        idx = idx_ref[j]
        lane = jax.lax.broadcasted_iota(jnp.int32, (1, D), 1)
        mins_ref[j, 0] = jnp.min(acc)
        mins_ref[j, 1] = jnp.min(jnp.where(lane == idx, jnp.inf, acc))

    @pl.when((j == B - 1) & (s == NS - 1))
    def _():
        prefix = jnp.float32(jnp.inf)
        for i in range(B):
            suf = mins_ref[i, 0]
            for k in range(i + 1, B):
                suf = jnp.minimum(suf, mins_ref[k, 0])
            m = jnp.minimum(prefix, suf)
            v = jnp.where(m == 0.0, jnp.float32(0.0), m - jnp.float32(100000.0))
            vals_ref[i] = v
            prefix = jnp.minimum(prefix, jnp.minimum(mins_ref[i, 1], v))


def _sc_fixup_body(idx_hbm, vals_hbm, big_ref, idx_v, vals_v, val128, *rest):
    addr_refs, sem = rest[:CHUNKS], rest[CHUNKS]
    w = lax.axis_index("s") * NC + lax.axis_index("c")
    i = w // (NW // B)
    r0 = (w % (NW // B)) * ROWS_PER_W
    pltpu.sync_copy(idx_hbm, idx_v)
    pltpu.sync_copy(vals_hbm, vals_v)
    sel = jnp.zeros((L,), jnp.int32) + i
    idx_b = jnp.take_along_axis(idx_v[...], sel, axis=0)
    val_b = jnp.take_along_axis(vals_v[...], sel, axis=0)
    iota = lax.iota(jnp.int32, L)
    base = i * (S * D) + r0 * D + iota * D + idx_b
    for t in range(128 // L):
        val128[pl.ds(t * L, L)] = val_b
    for j in range(CHUNKS):
        for t in range(128 // L):
            g = j * (128 // L) + t
            addr_refs[j][pl.ds(t * L, L)] = base + (g * L) * D
    for j in range(CHUNKS):
        pltpu.make_async_copy(val128, big_ref.at[addr_refs[j]], sem).start()
    for j in range(CHUNKS):
        pltpu.make_async_copy(val128, big_ref.at[addr_refs[j]], sem).wait()


def kernel(x, indices):
    indices = indices.astype(jnp.int32)
    big, vals = pl.pallas_call(
        _copy_reduce_kernel,
        grid_spec=pltpu.PrefetchScalarGridSpec(
            num_scalar_prefetch=1,
            grid=(B, NS),
            in_specs=[
                pl.BlockSpec((1, S_BLK, D), lambda j, s, idx: (j, s, 0)),
            ],
            out_specs=[
                pl.BlockSpec((1, S_BLK, D), lambda j, s, idx: (j, s, 0)),
                pl.BlockSpec(memory_space=pltpu.SMEM),
            ],
            scratch_shapes=[
                pltpu.VMEM((1, D), jnp.float32),
                pltpu.SMEM((B, 2), jnp.float32),
            ],
        ),
        out_shape=[
            jax.ShapeDtypeStruct((B, S, D), jnp.float32),
            jax.ShapeDtypeStruct((B,), jnp.float32),
        ],
    )(indices, x)

    idx_pad = jnp.zeros((L,), jnp.int32).at[:B].set(indices)
    vals_pad = jnp.zeros((L,), jnp.float32).at[:B].set(vals)
    mesh = plsc.VectorSubcoreMesh(core_axis_name="c", subcore_axis_name="s")
    ref = jax.new_ref(big.reshape(-1))
    sc_fixup = pl.kernel(
        _sc_fixup_body,
        out_type=(),
        mesh=mesh,
        scratch_types=[
            pltpu.VMEM((L,), jnp.int32),
            pltpu.VMEM((L,), jnp.float32),
            pltpu.VMEM((128,), jnp.float32),
            *[pltpu.VMEM((128,), jnp.int32) for _ in range(CHUNKS)],
            pltpu.SemaphoreType.DMA,
        ],
    )
    sc_fixup(idx_pad, vals_pad, ref)
    return ref[...].reshape(B, S, D)

# --- scband reference (transcript-rebuilt; emitter-appended) ---
"""Pipeline reference for scband-ablation-layer-816043786409 (READ-ONLY COPY).

The authoritative reference and input builder live on the scoring server;
editing this copy changes nothing except your own understanding.
"""

import jax, jax.numpy as jnp
import numpy as np

INDICES = np.array([100, 500, 1000, 1500], dtype=np.int64)


def setup_inputs(seed: int = 0) -> dict:
    key = jax.random.key(seed)
    x = jax.random.normal(key, (4, 8192, 2048), dtype=jnp.float32)
    indices = jnp.asarray(INDICES)
    return {"x": x, "indices": indices}


def reference(x, indices):
    # layer == identity (the wrapped target layer); reshape_transform is not None,
    # so the module transposes dims 1 and 2 before/after ablation.
    output = x  # layer(x) with identity layer
    output = jnp.swapaxes(output, 1, 2)  # [B, D, S]
    B = output.shape[0]
    for i in range(B):
        # torch recomputes min(output) on the IN-PLACE-MODIFIED tensor each
        # iteration, so ablation values cascade: min drops by 1e5 every step.
        m = jnp.min(output)
        val = jnp.where(m == 0.0, jnp.zeros((), output.dtype), m - 100000.0)
        output = output.at[i, indices[i], :].set(val)
    output = jnp.swapaxes(output, 1, 2)  # back to [B, S, D]
    return output

if __name__ == "__main__":
    import jax
    _d = setup_inputs()
    print(jax.jit(kernel)(*tuple(_d.values())))

</pallas_src>

<mosaic_0001>
#map = affine_map<(d0, d1) -> (0)>
module attributes {stable_mosaic.version = 14 : i64} {
  func.func @new_body(%arg0: i32, %arg1: i32, %arg2: memref<16xi32, #tpu.memory_space<hbm>>, %arg3: memref<16xf32, #tpu.memory_space<hbm>>, %arg4: memref<67108864xf32, #tpu.memory_space<hbm>>, %arg5: memref<67108864xf32, #tpu.memory_space<hbm>>, %arg6: memref<16xi32, #tpu.memory_space<vmem>>, %arg7: memref<16xf32, #tpu.memory_space<vmem>>, %arg8: memref<128xf32, #tpu.memory_space<vmem>>, %arg9: memref<128xi32, #tpu.memory_space<vmem>>, %arg10: memref<128xi32, #tpu.memory_space<vmem>>, %arg11: memref<128xi32, #tpu.memory_space<vmem>>, %arg12: memref<128xi32, #tpu.memory_space<vmem>>, %arg13: memref<128xi32, #tpu.memory_space<vmem>>, %arg14: memref<128xi32, #tpu.memory_space<vmem>>, %arg15: memref<128xi32, #tpu.memory_space<vmem>>, %arg16: memref<128xi32, #tpu.memory_space<vmem>>, %arg17: memref<!tpu.dma_semaphore, #tpu.memory_space<semaphore_mem>>) attributes {dimension_semantics = [#tpu.dimension_semantics<core_parallel>, #tpu.dimension_semantics<subcore_parallel>], iteration_bounds = array<i64: 2, 16>, scalar_prefetch = 0 : i64, scratch_operands = 12 : i64, tpu.core_type = #tpu.core_type<sc_vector_subcore>, window_params = [{transform_indices = #map}, {transform_indices = #map}, {transform_indices = #map}, {transform_indices = #map}]} {
    %mul3A = arith.constant 2 : i32
    %mul3A_0 = arith.muli %arg1, %mul3A : i32
    %add3A = arith.addi %mul3A_0, %arg0 : i32
    %jit3A = arith.constant 8 : i32
    %div3A = arith.divsi %add3A, %jit3A : i32
    %sign3A = arith.constant 0 : i32
    %sign3A_1 = arith.cmpi sgt, %add3A, %sign3A : i32
    %sign3A_2 = arith.extui %sign3A_1 : i1 to i32
    %sign3A_3 = arith.constant 0 : i32
    %sign3A_4 = arith.cmpi slt, %add3A, %sign3A_3 : i32
    %sign3A_5 = arith.extui %sign3A_4 : i1 to i32
    %sign3A_6 = arith.subi %sign3A_2, %sign3A_5 : i32
    %sign3A_7 = arith.constant 0 : i32
    %sign3A_8 = arith.cmpi sgt, %jit3A, %sign3A_7 : i32
    %sign3A_9 = arith.extui %sign3A_8 : i1 to i32
    %sign3A_10 = arith.constant 0 : i32
    %sign3A_11 = arith.cmpi slt, %jit3A, %sign3A_10 : i32
    %sign3A_12 = arith.extui %sign3A_11 : i1 to i32
    %sign3A_13 = arith.subi %sign3A_9, %sign3A_12 : i32
    %ne3A = arith.cmpi ne, %sign3A_6, %sign3A_13 : i32
    %rem3A = arith.remsi %add3A, %jit3A : i32
    %ne3A_14 = arith.constant 0 : i32
    %ne3A_15 = arith.cmpi ne, %rem3A, %ne3A_14 : i32
    %and3A = arith.andi %ne3A, %ne3A_15 : i1
    %sub3A = arith.constant 1 : i32
    %sub3A_16 = arith.subi %div3A, %sub3A : i32
    %select_n3A = arith.select %and3A, %sub3A_16, %div3A : i32
    %jit3A_17 = arith.constant 8 : i32
    %eq3A = arith.constant 0 : i32
    %eq3A_18 = arith.cmpi eq, %jit3A_17, %eq3A : i32
    %jit3A_19 = arith.constant 1 : i32
    %select_n3A_20 = arith.select %eq3A_18, %jit3A_19, %jit3A_17 : i32
    %rem3A_21 = arith.remsi %add3A, %select_n3A_20 : i32
    %ne3A_22 = arith.constant 0 : i32
    %ne3A_23 = arith.cmpi ne, %rem3A_21, %ne3A_22 : i32
    %lt3A = arith.constant 0 : i32
    %lt3A_24 = arith.cmpi slt, %rem3A_21, %lt3A : i32
    %lt3A_25 = arith.constant 0 : i32
    %lt3A_26 = arith.cmpi slt, %select_n3A_20, %lt3A_25 : i32
    %ne3A_27 = arith.xori %lt3A_24, %lt3A_26 : i1
    %and3A_28 = arith.andi %ne3A_27, %ne3A_23 : i1
    %add3A_29 = arith.addi %rem3A_21, %select_n3A_20 : i32
    %select_n3A_30 = arith.select %and3A_28, %add3A_29, %rem3A_21 : i32
    %mul3A_31 = arith.constant 1024 : i32
    %mul3A_32 = arith.muli %select_n3A_30, %mul3A_31 : i32
    "tpu.region"() ({
      %run_scoped3A = tpu.sem_alloc : memref<!tpu.dma_semaphore, #tpu.memory_space<semaphore_mem>>
      tpu.enqueue_dma source(%arg2 : memref<16xi32, #tpu.memory_space<hbm>>) target(%arg6 : memref<16xi32, #tpu.memory_space<vmem>>) target_semaphore(%run_scoped3A : memref<!tpu.dma_semaphore, #tpu.memory_space<semaphore_mem>>)
      tpu.wait_dma2 semaphore(%run_scoped3A : memref<!tpu.dma_semaphore, #tpu.memory_space<semaphore_mem>>) src(%arg2 : memref<16xi32, #tpu.memory_space<hbm>>) dst(%arg6 : memref<16xi32, #tpu.memory_space<vmem>>)
      tpu.yield
    }) : () -> ()
    "tpu.region"() ({
      %run_scoped3A = tpu.sem_alloc : memref<!tpu.dma_semaphore, #tpu.memory_space<semaphore_mem>>
      tpu.enqueue_dma source(%arg3 : memref<16xf32, #tpu.memory_space<hbm>>) target(%arg7 : memref<16xf32, #tpu.memory_space<vmem>>) target_semaphore(%run_scoped3A : memref<!tpu.dma_semaphore, #tpu.memory_space<semaphore_mem>>)
      tpu.wait_dma2 semaphore(%run_scoped3A : memref<!tpu.dma_semaphore, #tpu.memory_space<semaphore_mem>>) src(%arg3 : memref<16xf32, #tpu.memory_space<hbm>>) dst(%arg7 : memref<16xf32, #tpu.memory_space<vmem>>)
      tpu.yield
    }) : () -> ()
    %broadcast_in_dim3A = arith.constant 0 : i32
    %broadcast_in_dim3A_33 = vector.broadcast %broadcast_in_dim3A : i32 to vector<16xi32>
    %add3A_34 = vector.broadcast %select_n3A : i32 to vector<16xi32>
    %add3A_35 = arith.addi %broadcast_in_dim3A_33, %add3A_34 : vector<16xi32>
    %get3A = arith.constant 0 : index
    %get3A_36 = tpu.vector_load %arg6[%get3A] {strides = array<i32>} : memref<16xi32, #tpu.memory_space<vmem>>, vector<16xi32>,
    %get3A_37 = vector.shape_cast %get3A_36 : vector<16xi32> to vector<16xi32>
    %lt3A_38 = arith.constant 0 : i32
    %lt3A_39 = vector.broadcast %lt3A_38 : i32 to vector<16xi32>
    %lt3A_40 = arith.cmpi slt, %add3A_35, %lt3A_39 : vector<16xi32>
    %add3A_41 = arith.constant 16 : i32
    %add3A_42 = vector.broadcast %add3A_41 : i32 to vector<16xi32>
    %add3A_43 = arith.addi %add3A_35, %add3A_42 : vector<16xi32>
    %select_n3A_44 = arith.select %lt3A_40, %add3A_43, %add3A_35 : vector<16xi1>, vector<16xi32>
    %reshape3A = vector.shape_cast %select_n3A_44 : vector<16xi32> to vector<16x1xi32>
    %gather3A = vector.shape_cast %reshape3A : vector<16x1xi32> to vector<16xi32>
    %gather3A_45 = tpu.dynamic_gather %get3A_37[%gather3A] in [0] : vector<16xi32>, vector<16xi32> -> vector<16xi32>
    %get3A_46 = arith.constant 0 : index
    %get3A_47 = tpu.vector_load %arg7[%get3A_46] {strides = array<i32>} : memref<16xf32, #tpu.memory_space<vmem>>, vector<16xf32>,
    %get3A_48 = vector.shape_cast %get3A_47 : vector<16xf32> to vector<16xf32>
    %lt3A_49 = arith.constant 0 : i32
    %lt3A_50 = vector.broadcast %lt3A_49 : i32 to vector<16xi32>
    %lt3A_51 = arith.cmpi slt, %add3A_35, %lt3A_50 : vector<16xi32>
    %add3A_52 = arith.constant 16 : i32
    %add3A_53 = vector.broadcast %add3A_52 : i32 to vector<16xi32>
    %add3A_54 = arith.addi %add3A_35, %add3A_53 : vector<16xi32>
    %select_n3A_55 = arith.select %lt3A_51, %add3A_54, %add3A_35 : vector<16xi1>, vector<16xi32>
    %reshape3A_56 = vector.shape_cast %select_n3A_55 : vector<16xi32> to vector<16x1xi32>
    %gather3A_57 = vector.shape_cast %reshape3A_56 : vector<16x1xi32> to vector<16xi32>
    %gather3A_58 = tpu.dynamic_gather %get3A_48[%gather3A_57] in [0] : vector<16xf32>, vector<16xi32> -> vector<16xf32>
    %iota3A = tpu.iota {dimensions = array<i32: 0>} : vector<16xi32>
    %mul3A_59 = arith.constant 16777216 : i32
    %mul3A_60 = arith.muli %select_n3A, %mul3A_59 : i32
    %mul3A_61 = arith.constant 2048 : i32
    %mul3A_62 = arith.muli %mul3A_32, %mul3A_61 : i32
    %add3A_63 = arith.addi %mul3A_60, %mul3A_62 : i32
    %mul3A_64 = arith.constant 2048 : i32
    %mul3A_65 = vector.broadcast %mul3A_64 : i32 to vector<16xi32>
    %mul3A_66 = arith.muli %iota3A, %mul3A_65 : vector<16xi32>
    %add3A_67 = vector.broadcast %add3A_63 : i32 to vector<16xi32>
    %add3A_68 = arith.addi %add3A_67, %mul3A_66 : vector<16xi32>
    %add3A_69 = arith.addi %add3A_68, %gather3A_45 : vector<16xi32>
    %swap3A = arith.constant 0 : index
    %swap3A_70 = tpu.vector_load %arg8[%swap3A] {strides = array<i32>} : memref<128xf32, #tpu.memory_space<vmem>>, vector<16xf32>,
    %swap3A_71 = vector.shape_cast %swap3A_70 : vector<16xf32> to vector<16xf32>
    %swap3A_72 = vector.shape_cast %gather3A_58 : vector<16xf32> to vector<16xf32>
    tpu.vector_store %arg8[%swap3A], %swap3A_72 {strides = array<i32>} : memref<128xf32, #tpu.memory_space<vmem>>, vector<16xf32>,
    %swap3A_73 = arith.constant 16 : index
    %swap3A_74 = tpu.vector_load %arg8[%swap3A_73] {strides = array<i32>} : memref<128xf32, #tpu.memory_space<vmem>>, vector<16xf32>,
    %swap3A_75 = vector.shape_cast %swap3A_74 : vector<16xf32> to vector<16xf32>
    %swap3A_76 = vector.shape_cast %gather3A_58 : vector<16xf32> to vector<16xf32>
    tpu.vector_store %arg8[%swap3A_73], %swap3A_76 {strides = array<i32>} : memref<128xf32, #tpu.memory_space<vmem>>, vector<16xf32>,
    %swap3A_77 = arith.constant 32 : index
    %swap3A_78 = tpu.vector_load %arg8[%swap3A_77] {strides = array<i32>} : memref<128xf32, #tpu.memory_space<vmem>>, vector<16xf32>,
    %swap3A_79 = vector.shape_cast %swap3A_78 : vector<16xf32> to vector<16xf32>
    %swap3A_80 = vector.shape_cast %gather3A_58 : vector<16xf32> to vector<16xf32>
    tpu.vector_store %arg8[%swap3A_77], %swap3A_80 {strides = array<i32>} : memref<128xf32, #tpu.memory_space<vmem>>, vector<16xf32>,
    %swap3A_81 = arith.constant 48 : index
    %swap3A_82 = tpu.vector_load %arg8[%swap3A_81] {strides = array<i32>} : memref<128xf32, #tpu.memory_space<vmem>>, vector<16xf32>,
    %swap3A_83 = vector.shape_cast %swap3A_82 : vector<16xf32> to vector<16xf32>
    %swap3A_84 = vector.shape_cast %gather3A_58 : vector<16xf32> to vector<16xf32>
    tpu.vector_store %arg8[%swap3A_81], %swap3A_84 {strides = array<i32>} : memref<128xf32, #tpu.memory_space<vmem>>, vector<16xf32>,
    %swap3A_85 = arith.constant 64 : index
    %swap3A_86 = tpu.vector_load %arg8[%swap3A_85] {strides = array<i32>} : memref<128xf32, #tpu.memory_space<vmem>>, vector<16xf32>,
    %swap3A_87 = vector.shape_cast %swap3A_86 : vector<16xf32> to vector<16xf32>
    %swap3A_88 = vector.shape_cast %gather3A_58 : vector<16xf32> to vector<16xf32>
    tpu.vector_store %arg8[%swap3A_85], %swap3A_88 {strides = array<i32>} : memref<128xf32, #tpu.memory_space<vmem>>, vector<16xf32>,
    %swap3A_89 = arith.constant 80 : index
    %swap3A_90 = tpu.vector_load %arg8[%swap3A_89] {strides = array<i32>} : memref<128xf32, #tpu.memory_space<vmem>>, vector<16xf32>,
    %swap3A_91 = vector.shape_cast %swap3A_90 : vector<16xf32> to vector<16xf32>
    %swap3A_92 = vector.shape_cast %gather3A_58 : vector<16xf32> to vector<16xf32>
    tpu.vector_store %arg8[%swap3A_89], %swap3A_92 {strides = array<i32>} : memref<128xf32, #tpu.memory_space<vmem>>, vector<16xf32>,
    %swap3A_93 = arith.constant 96 : index
    %swap3A_94 = tpu.vector_load %arg8[%swap3A_93] {strides = array<i32>} : memref<128xf32, #tpu.memory_space<vmem>>, vector<16xf32>,
    %swap3A_95 = vector.shape_cast %swap3A_94 : vector<16xf32> to vector<16xf32>
    %swap3A_96 = vector.shape_cast %gather3A_58 : vector<16xf32> to vector<16xf32>
    tpu.vector_store %arg8[%swap3A_93], %swap3A_96 {strides = array<i32>} : memref<128xf32, #tpu.memory_space<vmem>>, vector<16xf32>,
    %swap3A_97 = arith.constant 112 : index
    %swap3A_98 = tpu.vector_load %arg8[%swap3A_97] {strides = array<i32>} : memref<128xf32, #tpu.memory_space<vmem>>, vector<16xf32>,
    %swap3A_99 = vector.shape_cast %swap3A_98 : vector<16xf32> to vector<16xf32>
    %swap3A_100 = vector.shape_cast %gather3A_58 : vector<16xf32> to vector<16xf32>
    tpu.vector_store %arg8[%swap3A_97], %swap3A_100 {strides = array<i32>} : memref<128xf32, #tpu.memory_space<vmem>>, vector<16xf32>,
    %add3A_101 = arith.constant 0 : i32
    %add3A_102 = vector.broadcast %add3A_101 : i32 to vector<16xi32>
    %add3A_103 = arith.addi %add3A_69, %add3A_102 : vector<16xi32>
    %swap3A_104 = arith.constant 0 : index
    %swap3A_105 = tpu.vector_load %arg9[%swap3A_104] {strides = array<i32>} : memref<128xi32, #tpu.memory_space<vmem>>, vector<16xi32>,
    %swap3A_106 = vector.shape_cast %swap3A_105 : vector<16xi32> to vector<16xi32>
    %swap3A_107 = vector.shape_cast %add3A_103 : vector<16xi32> to vector<16xi32>
    tpu.vector_store %arg9[%swap3A_104], %swap3A_107 {strides = array<i32>} : memref<128xi32, #tpu.memory_space<vmem>>, vector<16xi32>,
    %add3A_108 = arith.constant 32768 : i32
    %add3A_109 = vector.broadcast %add3A_108 : i32 to vector<16xi32>
    %add3A_110 = arith.addi %add3A_69, %add3A_109 : vector<16xi32>
    %swap3A_111 = arith.constant 16 : index
    %swap3A_112 = tpu.vector_load %arg9[%swap3A_111] {strides = array<i32>} : memref<128xi32, #tpu.memory_space<vmem>>, vector<16xi32>,
    %swap3A_113 = vector.shape_cast %swap3A_112 : vector<16xi32> to vector<16xi32>
    %swap3A_114 = vector.shape_cast %add3A_110 : vector<16xi32> to vector<16xi32>
    tpu.vector_store %arg9[%swap3A_111], %swap3A_114 {strides = array<i32>} : memref<128xi32, #tpu.memory_space<vmem>>, vector<16xi32>,
    %add3A_115 = arith.constant 65536 : i32
    %add3A_116 = vector.broadcast %add3A_115 : i32 to vector<16xi32>
    %add3A_117 = arith.addi %add3A_69, %add3A_116 : vector<16xi32>
    %swap3A_118 = arith.constant 32 : index
    %swap3A_119 = tpu.vector_load %arg9[%swap3A_118] {strides = array<i32>} : memref<128xi32, #tpu.memory_space<vmem>>, vector<16xi32>,
    %swap3A_120 = vector.shape_cast %swap3A_119 : vector<16xi32> to vector<16xi32>
    %swap3A_121 = vector.shape_cast %add3A_117 : vector<16xi32> to vector<16xi32>
    tpu.vector_store %arg9[%swap3A_118], %swap3A_121 {strides = array<i32>} : memref<128xi32, #tpu.memory_space<vmem>>, vector<16xi32>,
    %add3A_122 = arith.constant 98304 : i32
    %add3A_123 = vector.broadcast %add3A_122 : i32 to vector<16xi32>
    %add3A_124 = arith.addi %add3A_69, %add3A_123 : vector<16xi32>
    %swap3A_125 = arith.constant 48 : index
    %swap3A_126 = tpu.vector_load %arg9[%swap3A_125] {strides = array<i32>} : memref<128xi32, #tpu.memory_space<vmem>>, vector<16xi32>,
    %swap3A_127 = vector.shape_cast %swap3A_126 : vector<16xi32> to vector<16xi32>
    %swap3A_128 = vector.shape_cast %add3A_124 : vector<16xi32> to vector<16xi32>
    tpu.vector_store %arg9[%swap3A_125], %swap3A_128 {strides = array<i32>} : memref<128xi32, #tpu.memory_space<vmem>>, vector<16xi32>,
    %add3A_129 = arith.constant 131072 : i32
    %add3A_130 = vector.broadcast %add3A_129 : i32 to vector<16xi32>
    %add3A_131 = arith.addi %add3A_69, %add3A_130 : vector<16xi32>
    %swap3A_132 = arith.constant 64 : index
    %swap3A_133 = tpu.vector_load %arg9[%swap3A_132] {strides = array<i32>} : memref<128xi32, #tpu.memory_space<vmem>>, vector<16xi32>,
    %swap3A_134 = vector.shape_cast %swap3A_133 : vector<16xi32> to vector<16xi32>
    %swap3A_135 = vector.shape_cast %add3A_131 : vector<16xi32> to vector<16xi32>
    tpu.vector_store %arg9[%swap3A_132], %swap3A_135 {strides = array<i32>} : memref<128xi32, #tpu.memory_space<vmem>>, vector<16xi32>,
    %add3A_136 = arith.constant 163840 : i32
    %add3A_137 = vector.broadcast %add3A_136 : i32 to vector<16xi32>
    %add3A_138 = arith.addi %add3A_69, %add3A_137 : vector<16xi32>
    %swap3A_139 = arith.constant 80 : index
    %swap3A_140 = tpu.vector_load %arg9[%swap3A_139] {strides = array<i32>} : memref<128xi32, #tpu.memory_space<vmem>>, vector<16xi32>,
    %swap3A_141 = vector.shape_cast %swap3A_140 : vector<16xi32> to vector<16xi32>
    %swap3A_142 = vector.shape_cast %add3A_138 : vector<16xi32> to vector<16xi32>
    tpu.vector_store %arg9[%swap3A_139], %swap3A_142 {strides = array<i32>} : memref<128xi32, #tpu.memory_space<vmem>>, vector<16xi32>,
    %add3A_143 = arith.constant 196608 : i32
    %add3A_144 = vector.broadcast %add3A_143 : i32 to vector<16xi32>
    %add3A_145 = arith.addi %add3A_69, %add3A_144 : vector<16xi32>
    %swap3A_146 = arith.constant 96 : index
    %swap3A_147 = tpu.vector_load %arg9[%swap3A_146] {strides = array<i32>} : memref<128xi32, #tpu.memory_space<vmem>>, vector<16xi32>,
    %swap3A_148 = vector.shape_cast %swap3A_147 : vector<16xi32> to vector<16xi32>
    %swap3A_149 = vector.shape_cast %add3A_145 : vector<16xi32> to vector<16xi32>
    tpu.vector_store %arg9[%swap3A_146], %swap3A_149 {strides = array<i32>} : memref<128xi32, #tpu.memory_space<vmem>>, vector<16xi32>,
    %add3A_150 = arith.constant 229376 : i32
    %add3A_151 = vector.broadcast %add3A_150 : i32 to vector<16xi32>
    %add3A_152 = arith.addi %add3A_69, %add3A_151 : vector<16xi32>
    %swap3A_153 = arith.constant 112 : index
    %swap3A_154 = tpu.vector_load %arg9[%swap3A_153] {strides = array<i32>} : memref<128xi32, #tpu.memory_space<vmem>>, vector<16xi32>,
    %swap3A_155 = vector.shape_cast %swap3A_154 : vector<16xi32> to vector<16xi32>
    %swap3A_156 = vector.shape_cast %add3A_152 : vector<16xi32> to vector<16xi32>
    tpu.vector_store %arg9[%swap3A_153], %swap3A_156 {strides = array<i32>} : memref<128xi32, #tpu.memory_space<vmem>>, vector<16xi32>,
    %add3A_157 = arith.constant 262144 : i32
    %add3A_158 = vector.broadcast %add3A_157 : i32 to vector<16xi32>
    %add3A_159 = arith.addi %add3A_69, %add3A_158 : vector<16xi32>
    %swap3A_160 = arith.constant 0 : index
    %swap3A_161 = tpu.vector_load %arg10[%swap3A_160] {strides = array<i32>} : memref<128xi32, #tpu.memory_space<vmem>>, vector<16xi32>,
    %swap3A_162 = vector.shape_cast %swap3A_161 : vector<16xi32> to vector<16xi32>
    %swap3A_163 = vector.shape_cast %add3A_159 : vector<16xi32> to vector<16xi32>
    tpu.vector_store %arg10[%swap3A_160], %swap3A_163 {strides = array<i32>} : memref<128xi32, #tpu.memory_space<vmem>>, vector<16xi32>,
    %add3A_164 = arith.constant 294912 : i32
    %add3A_165 = vector.broadcast %add3A_164 : i32 to vector<16xi32>
    %add3A_166 = arith.addi %add3A_69, %add3A_165 : vector<16xi32>
    %swap3A_167 = arith.constant 16 : index
    %swap3A_168 = tpu.vector_load %arg10[%swap3A_167] {strides = array<i32>} : memref<128xi32, #tpu.memory_space<vmem>>, vector<16xi32>,
    %swap3A_169 = vector.shape_cast %swap3A_168 : vector<16xi32> to vector<16xi32>
    %swap3A_170 = vector.shape_cast %add3A_166 : vector<16xi32> to vector<16xi32>
    tpu.vector_store %arg10[%swap3A_167], %swap3A_170 {strides = array<i32>} : memref<128xi32, #tpu.memory_space<vmem>>, vector<16xi32>,
    %add3A_171 = arith.constant 327680 : i32
    %add3A_172 = vector.broadcast %add3A_171 : i32 to vector<16xi32>
    %add3A_173 = arith.addi %add3A_69, %add3A_172 : vector<16xi32>
    %swap3A_174 = arith.constant 32 : index
    %swap3A_175 = tpu.vector_load %arg10[%swap3A_174] {strides = array<i32>} : memref<128xi32, #tpu.memory_space<vmem>>, vector<16xi32>,
    %swap3A_176 = vector.shape_cast %swap3A_175 : vector<16xi32> to vector<16xi32>
    %swap3A_177 = vector.shape_cast %add3A_173 : vector<16xi32> to vector<16xi32>
    tpu.vector_store %arg10[%swap3A_174], %swap3A_177 {strides = array<i32>} : memref<128xi32, #tpu.memory_space<vmem>>, vector<16xi32>,
    %add3A_178 = arith.constant 360448 : i32
    %add3A_179 = vector.broadcast %add3A_178 : i32 to vector<16xi32>
    %add3A_180 = arith.addi %add3A_69, %add3A_179 : vector<16xi32>
    %swap3A_181 = arith.constant 48 : index
    %swap3A_182 = tpu.vector_load %arg10[%swap3A_181] {strides = array<i32>} : memref<128xi32, #tpu.memory_space<vmem>>, vector<16xi32>,
    %swap3A_183 = vector.shape_cast %swap3A_182 : vector<16xi32> to vector<16xi32>
    %swap3A_184 = vector.shape_cast %add3A_180 : vector<16xi32> to vector<16xi32>
    tpu.vector_store %arg10[%swap3A_181], %swap3A_184 {strides = array<i32>} : memref<128xi32, #tpu.memory_space<vmem>>, vector<16xi32>,
    %add3A_185 = arith.constant 393216 : i32
    %add3A_186 = vector.broadcast %add3A_185 : i32 to vector<16xi32>
    %add3A_187 = arith.addi %add3A_69, %add3A_186 : vector<16xi32>
    %swap3A_188 = arith.constant 64 : index
    %swap3A_189 = tpu.vector_load %arg10[%swap3A_188] {strides = array<i32>} : memref<128xi32, #tpu.memory_space<vmem>>, vector<16xi32>,
    %swap3A_190 = vector.shape_cast %swap3A_189 : vector<16xi32> to vector<16xi32>
    %swap3A_191 = vector.shape_cast %add3A_187 : vector<16xi32> to vector<16xi32>
    tpu.vector_store %arg10[%swap3A_188], %swap3A_191 {strides = array<i32>} : memref<128xi32, #tpu.memory_space<vmem>>, vector<16xi32>,
    %add3A_192 = arith.constant 425984 : i32
    %add3A_193 = vector.broadcast %add3A_192 : i32 to vector<16xi32>
    %add3A_194 = arith.addi %add3A_69, %add3A_193 : vector<16xi32>
    %swap3A_195 = arith.constant 80 : index
    %swap3A_196 = tpu.vector_load %arg10[%swap3A_195] {strides = array<i32>} : memref<128xi32, #tpu.memory_space<vmem>>, vector<16xi32>,
    %swap3A_197 = vector.shape_cast %swap3A_196 : vector<16xi32> to vector<16xi32>
    %swap3A_198 = vector.shape_cast %add3A_194 : vector<16xi32> to vector<16xi32>
    tpu.vector_store %arg10[%swap3A_195], %swap3A_198 {strides = array<i32>} : memref<128xi32, #tpu.memory_space<vmem>>, vector<16xi32>,
    %add3A_199 = arith.constant 458752 : i32
    %add3A_200 = vector.broadcast %add3A_199 : i32 to vector<16xi32>
    %add3A_201 = arith.addi %add3A_69, %add3A_200 : vector<16xi32>
    %swap3A_202 = arith.constant 96 : index
    %swap3A_203 = tpu.vector_load %arg10[%swap3A_202] {strides = array<i32>} : memref<128xi32, #tpu.memory_space<vmem>>, vector<16xi32>,
    %swap3A_204 = vector.shape_cast %swap3A_203 : vector<16xi32> to vector<16xi32>
    %swap3A_205 = vector.shape_cast %add3A_201 : vector<16xi32> to vector<16xi32>
    tpu.vector_store %arg10[%swap3A_202], %swap3A_205 {strides = array<i32>} : memref<128xi32, #tpu.memory_space<vmem>>, vector<16xi32>,
    %add3A_206 = arith.constant 491520 : i32
    %add3A_207 = vector.broadcast %add3A_206 : i32 to vector<16xi32>
    %add3A_208 = arith.addi %add3A_69, %add3A_207 : vector<16xi32>
    %swap3A_209 = arith.constant 112 : index
    %swap3A_210 = tpu.vector_load %arg10[%swap3A_209] {strides = array<i32>} : memref<128xi32, #tpu.memory_space<vmem>>, vector<16xi32>,
    %swap3A_211 = vector.shape_cast %swap3A_210 : vector<16xi32> to vector<16xi32>
    %swap3A_212 = vector.shape_cast %add3A_208 : vector<16xi32> to vector<16xi32>
    tpu.vector_store %arg10[%swap3A_209], %swap3A_212 {strides = array<i32>} : memref<128xi32, #tpu.memory_space<vmem>>, vector<16xi32>,
    %add3A_213 = arith.constant 524288 : i32
    %add3A_214 = vector.broadcast %add3A_213 : i32 to vector<16xi32>
    %add3A_215 = arith.addi %add3A_69, %add3A_214 : vector<16xi32>
    %swap3A_216 = arith.constant 0 : index
    %swap3A_217 = tpu.vector_load %arg11[%swap3A_216] {strides = array<i32>} : memref<128xi32, #tpu.memory_space<vmem>>, vector<16xi32>,
    %swap3A_218 = vector.shape_cast %swap3A_217 : vector<16xi32> to vector<16xi32>
    %swap3A_219 = vector.shape_cast %add3A_215 : vector<16xi32> to vector<16xi32>
    tpu.vector_store %arg11[%swap3A_216], %swap3A_219 {strides = array<i32>} : memref<128xi32, #tpu.memory_space<vmem>>, vector<16xi32>,
    %add3A_220 = arith.constant 557056 : i32
    %add3A_221 = vector.broadcast %add3A_220 : i32 to vector<16xi32>
    %add3A_222 = arith.addi %add3A_69, %add3A_221 : vector<16xi32>
    %swap3A_223 = arith.constant 16 : index
    %swap3A_224 = tpu.vector_load %arg11[%swap3A_223] {strides = array<i32>} : memref<128xi32, #tpu.memory_space<vmem>>, vector<16xi32>,
    %swap3A_225 = vector.shape_cast %swap3A_224 : vector<16xi32> to vector<16xi32>
    %swap3A_226 = vector.shape_cast %add3A_222 : vector<16xi32> to vector<16xi32>
    tpu.vector_store %arg11[%swap3A_223], %swap3A_226 {strides = array<i32>} : memref<128xi32, #tpu.memory_space<vmem>>, vector<16xi32>,
    %add3A_227 = arith.constant 589824 : i32
    %add3A_228 = vector.broadcast %add3A_227 : i32 to vector<16xi32>
    %add3A_229 = arith.addi %add3A_69, %add3A_228 : vector<16xi32>
    %swap3A_230 = arith.constant 32 : index
    %swap3A_231 = tpu.vector_load %arg11[%swap3A_230] {strides = array<i32>} : memref<128xi32, #tpu.memory_space<vmem>>, vector<16xi32>,
    %swap3A_232 = vector.shape_cast %swap3A_231 : vector<16xi32> to vector<16xi32>
    %swap3A_233 = vector.shape_cast %add3A_229 : vector<16xi32> to vector<16xi32>
    tpu.vector_store %arg11[%swap3A_230], %swap3A_233 {strides = array<i32>} : memref<128xi32, #tpu.memory_space<vmem>>, vector<16xi32>,
    %add3A_234 = arith.constant 622592 : i32
    %add3A_235 = vector.broadcast %add3A_234 : i32 to vector<16xi32>
    %add3A_236 = arith.addi %add3A_69, %add3A_235 : vector<16xi32>
    %swap3A_237 = arith.constant 48 : index
    %swap3A_238 = tpu.vector_load %arg11[%swap3A_237] {strides = array<i32>} : memref<128xi32, #tpu.memory_space<vmem>>, vector<16xi32>,
    %swap3A_239 = vector.shape_cast %swap3A_238 : vector<16xi32> to vector<16xi32>
    %swap3A_240 = vector.shape_cast %add3A_236 : vector<16xi32> to vector<16xi32>
    tpu.vector_store %arg11[%swap3A_237], %swap3A_240 {strides = array<i32>} : memref<128xi32, #tpu.memory_space<vmem>>, vector<16xi32>,
    %add3A_241 = arith.constant 655360 : i32
    %add3A_242 = vector.broadcast %add3A_241 : i32 to vector<16xi32>
    %add3A_243 = arith.addi %add3A_69, %add3A_242 : vector<16xi32>
    %swap3A_244 = arith.constant 64 : index
    %swap3A_245 = tpu.vector_load %arg11[%swap3A_244] {strides = array<i32>} : memref<128xi32, #tpu.memory_space<vmem>>, vector<16xi32>,
    %swap3A_246 = vector.shape_cast %swap3A_245 : vector<16xi32> to vector<16xi32>
    %swap3A_247 = vector.shape_cast %add3A_243 : vector<16xi32> to vector<16xi32>
    tpu.vector_store %arg11[%swap3A_244], %swap3A_247 {strides = array<i32>} : memref<128xi32, #tpu.memory_space<vmem>>, vector<16xi32>,
    %add3A_248 = arith.constant 688128 : i32
    %add3A_249 = vector.broadcast %add3A_248 : i32 to vector<16xi32>
    %add3A_250 = arith.addi %add3A_69, %add3A_249 : vector<16xi32>
    %swap3A_251 = arith.constant 80 : index
    %swap3A_252 = tpu.vector_load %arg11[%swap3A_251] {strides = array<i32>} : memref<128xi32, #tpu.memory_space<vmem>>, vector<16xi32>,
    %swap3A_253 = vector.shape_cast %swap3A_252 : vector<16xi32> to vector<16xi32>
    %swap3A_254 = vector.shape_cast %add3A_250 : vector<16xi32> to vector<16xi32>
    tpu.vector_store %arg11[%swap3A_251], %swap3A_254 {strides = array<i32>} : memref<128xi32, #tpu.memory_space<vmem>>, vector<16xi32>,
    %add3A_255 = arith.constant 720896 : i32
    %add3A_256 = vector.broadcast %add3A_255 : i32 to vector<16xi32>
    %add3A_257 = arith.addi %add3A_69, %add3A_256 : vector<16xi32>
    %swap3A_258 = arith.constant 96 : index
    %swap3A_259 = tpu.vector_load %arg11[%swap3A_258] {strides = array<i32>} : memref<128xi32, #tpu.memory_space<vmem>>, vector<16xi32>,
    %swap3A_260 = vector.shape_cast %swap3A_259 : vector<16xi32> to vector<16xi32>
    %swap3A_261 = vector.shape_cast %add3A_257 : vector<16xi32> to vector<16xi32>
    tpu.vector_store %arg11[%swap3A_258], %swap3A_261 {strides = array<i32>} : memref<128xi32, #tpu.memory_space<vmem>>, vector<16xi32>,
    %add3A_262 = arith.constant 753664 : i32
    %add3A_263 = vector.broadcast %add3A_262 : i32 to vector<16xi32>
    %add3A_264 = arith.addi %add3A_69, %add3A_263 : vector<16xi32>
    %swap3A_265 = arith.constant 112 : index
    %swap3A_266 = tpu.vector_load %arg11[%swap3A_265] {strides = array<i32>} : memref<128xi32, #tpu.memory_space<vmem>>, vector<16xi32>,
    %swap3A_267 = vector.shape_cast %swap3A_266 : vector<16xi32> to vector<16xi32>
    %swap3A_268 = vector.shape_cast %add3A_264 : vector<16xi32> to vector<16xi32>
    tpu.vector_store %arg11[%swap3A_265], %swap3A_268 {strides = array<i32>} : memref<128xi32, #tpu.memory_space<vmem>>, vector<16xi32>,
    %add3A_269 = arith.constant 786432 : i32
    %add3A_270 = vector.broadcast %add3A_269 : i32 to vector<16xi32>
    %add3A_271 = arith.addi %add3A_69, %add3A_270 : vector<16xi32>
    %swap3A_272 = arith.constant 0 : index
    %swap3A_273 = tpu.vector_load %arg12[%swap3A_272] {strides = array<i32>} : memref<128xi32, #tpu.memory_space<vmem>>, vector<16xi32>,
    %swap3A_274 = vector.shape_cast %swap3A_273 : vector<16xi32> to vector<16xi32>
    %swap3A_275 = vector.shape_cast %add3A_271 : vector<16xi32> to vector<16xi32>
    tpu.vector_store %arg12[%swap3A_272], %swap3A_275 {strides = array<i32>} : memref<128xi32, #tpu.memory_space<vmem>>, vector<16xi32>,
    %add3A_276 = arith.constant 819200 : i32
    %add3A_277 = vector.broadcast %add3A_276 : i32 to vector<16xi32>
    %add3A_278 = arith.addi %add3A_69, %add3A_277 : vector<16xi32>
    %swap3A_279 = arith.constant 16 : index
    %swap3A_280 = tpu.vector_load %arg12[%swap3A_279] {strides = array<i32>} : memref<128xi32, #tpu.memory_space<vmem>>, vector<16xi32>,
    %swap3A_281 = vector.shape_cast %swap3A_280 : vector<16xi32> to vector<16xi32>
    %swap3A_282 = vector.shape_cast %add3A_278 : vector<16xi32> to vector<16xi32>
    tpu.vector_store %arg12[%swap3A_279], %swap3A_282 {strides = array<i32>} : memref<128xi32, #tpu.memory_space<vmem>>, vector<16xi32>,
    %add3A_283 = arith.constant 851968 : i32
    %add3A_284 = vector.broadcast %add3A_283 : i32 to vector<16xi32>
    %add3A_285 = arith.addi %add3A_69, %add3A_284 : vector<16xi32>
    %swap3A_286 = arith.constant 32 : index
    %swap3A_287 = tpu.vector_load %arg12[%swap3A_286] {strides = array<i32>} : memref<128xi32, #tpu.memory_space<vmem>>, vector<16xi32>,
    %swap3A_288 = vector.shape_cast %swap3A_287 : vector<16xi32> to vector<16xi32>
    %swap3A_289 = vector.shape_cast %add3A_285 : vector<16xi32> to vector<16xi32>
    tpu.vector_store %arg12[%swap3A_286], %swap3A_289 {strides = array<i32>} : memref<128xi32, #tpu.memory_space<vmem>>, vector<16xi32>,
    %add3A_290 = arith.constant 884736 : i32
    %add3A_291 = vector.broadcast %add3A_290 : i32 to vector<16xi32>
    %add3A_292 = arith.addi %add3A_69, %add3A_291 : vector<16xi32>
    %swap3A_293 = arith.constant 48 : index
    %swap3A_294 = tpu.vector_load %arg12[%swap3A_293] {strides = array<i32>} : memref<128xi32, #tpu.memory_space<vmem>>, vector<16xi32>,
    %swap3A_295 = vector.shape_cast %swap3A_294 : vector<16xi32> to vector<16xi32>
    %swap3A_296 = vector.shape_cast %add3A_292 : vector<16xi32> to vector<16xi32>
    tpu.vector_store %arg12[%swap3A_293], %swap3A_296 {strides = array<i32>} : memref<128xi32, #tpu.memory_space<vmem>>, vector<16xi32>,
    %add3A_297 = arith.constant 917504 : i32
    %add3A_298 = vector.broadcast %add3A_297 : i32 to vector<16xi32>
    %add3A_299 = arith.addi %add3A_69, %add3A_298 : vector<16xi32>
    %swap3A_300 = arith.constant 64 : index
    %swap3A_301 = tpu.vector_load %arg12[%swap3A_300] {strides = array<i32>} : memref<128xi32, #tpu.memory_space<vmem>>, vector<16xi32>,
    %swap3A_302 = vector.shape_cast %swap3A_301 : vector<16xi32> to vector<16xi32>
    %swap3A_303 = vector.shape_cast %add3A_299 : vector<16xi32> to vector<16xi32>
    tpu.vector_store %arg12[%swap3A_300], %swap3A_303 {strides = array<i32>} : memref<128xi32, #tpu.memory_space<vmem>>, vector<16xi32>,
    %add3A_304 = arith.constant 950272 : i32
    %add3A_305 = vector.broadcast %add3A_304 : i32 to vector<16xi32>
    %add3A_306 = arith.addi %add3A_69, %add3A_305 : vector<16xi32>
    %swap3A_307 = arith.constant 80 : index
    %swap3A_308 = tpu.vector_load %arg12[%swap3A_307] {strides = array<i32>} : memref<128xi32, #tpu.memory_space<vmem>>, vector<16xi32>,
    %swap3A_309 = vector.shape_cast %swap3A_308 : vector<16xi32> to vector<16xi32>
    %swap3A_310 = vector.shape_cast %add3A_306 : vector<16xi32> to vector<16xi32>
    tpu.vector_store %arg12[%swap3A_307], %swap3A_310 {strides = array<i32>} : memref<128xi32, #tpu.memory_space<vmem>>, vector<16xi32>,
    %add3A_311 = arith.constant 983040 : i32
    %add3A_312 = vector.broadcast %add3A_311 : i32 to vector<16xi32>
    %add3A_313 = arith.addi %add3A_69, %add3A_312 : vector<16xi32>
    %swap3A_314 = arith.constant 96 : index
    %swap3A_315 = tpu.vector_load %arg12[%swap3A_314] {strides = array<i32>} : memref<128xi32, #tpu.memory_space<vmem>>, vector<16xi32>,
    %swap3A_316 = vector.shape_cast %swap3A_315 : vector<16xi32> to vector<16xi32>
    %swap3A_317 = vector.shape_cast %add3A_313 : vector<16xi32> to vector<16xi32>
    tpu.vector_store %arg12[%swap3A_314], %swap3A_317 {strides = array<i32>} : memref<128xi32, #tpu.memory_space<vmem>>, vector<16xi32>,
    %add3A_318 = arith.constant 1015808 : i32
    %add3A_319 = vector.broadcast %add3A_318 : i32 to vector<16xi32>
    %add3A_320 = arith.addi %add3A_69, %add3A_319 : vector<16xi32>
    %swap3A_321 = arith.constant 112 : index
    %swap3A_322 = tpu.vector_load %arg12[%swap3A_321] {strides = array<i32>} : memref<128xi32, #tpu.memory_space<vmem>>, vector<16xi32>,
    %swap3A_323 = vector.shape_cast %swap3A_322 : vector<16xi32> to vector<16xi32>
    %swap3A_324 = vector.shape_cast %add3A_320 : vector<16xi32> to vector<16xi32>
    tpu.vector_store %arg12[%swap3A_321], %swap3A_324 {strides = array<i32>} : memref<128xi32, #tpu.memory_space<vmem>>, vector<16xi32>,
    %add3A_325 = arith.constant 1048576 : i32
    %add3A_326 = vector.broadcast %add3A_325 : i32 to vector<16xi32>
    %add3A_327 = arith.addi %add3A_69, %add3A_326 : vector<16xi32>
    %swap3A_328 = arith.constant 0 : index
    %swap3A_329 = tpu.vector_load %arg13[%swap3A_328] {strides = array<i32>} : memref<128xi32, #tpu.memory_space<vmem>>, vector<16xi32>,
    %swap3A_330 = vector.shape_cast %swap3A_329 : vector<16xi32> to vector<16xi32>
    %swap3A_331 = vector.shape_cast %add3A_327 : vector<16xi32> to vector<16xi32>
    tpu.vector_store %arg13[%swap3A_328], %swap3A_331 {strides = array<i32>} : memref<128xi32, #tpu.memory_space<vmem>>, vector<16xi32>,
    %add3A_332 = arith.constant 1081344 : i32
    %add3A_333 = vector.broadcast %add3A_332 : i32 to vector<16xi32>
    %add3A_334 = arith.addi %add3A_69, %add3A_333 : vector<16xi32>
    %swap3A_335 = arith.constant 16 : index
    %swap3A_336 = tpu.vector_load %arg13[%swap3A_335] {strides = array<i32>} : memref<128xi32, #tpu.memory_space<vmem>>, vector<16xi32>,
    %swap3A_337 = vector.shape_cast %swap3A_336 : vector<16xi32> to vector<16xi32>
    %swap3A_338 = vector.shape_cast %add3A_334 : vector<16xi32> to vector<16xi32>
    tpu.vector_store %arg13[%swap3A_335], %swap3A_338 {strides = array<i32>} : memref<128xi32, #tpu.memory_space<vmem>>, vector<16xi32>,
    %add3A_339 = arith.constant 1114112 : i32
    %add3A_340 = vector.broadcast %add3A_339 : i32 to vector<16xi32>
    %add3A_341 = arith.addi %add3A_69, %add3A_340 : vector<16xi32>
    %swap3A_342 = arith.constant 32 : index
    %swap3A_343 = tpu.vector_load %arg13[%swap3A_342] {strides = array<i32>} : memref<128xi32, #tpu.memory_space<vmem>>, vector<16xi32>,
    %swap3A_344 = vector.shape_cast %swap3A_343 : vector<16xi32> to vector<16xi32>
    %swap3A_345 = vector.shape_cast %add3A_341 : vector<16xi32> to vector<16xi32>
    tpu.vector_store %arg13[%swap3A_342], %swap3A_345 {strides = array<i32>} : memref<128xi32, #tpu.memory_space<vmem>>, vector<16xi32>,
    %add3A_346 = arith.constant 1146880 : i32
    %add3A_347 = vector.broadcast %add3A_346 : i32 to vector<16xi32>
    %add3A_348 = arith.addi %add3A_69, %add3A_347 : vector<16xi32>
    %swap3A_349 = arith.constant 48 : index
    %swap3A_350 = tpu.vector_load %arg13[%swap3A_349] {strides = array<i32>} : memref<128xi32, #tpu.memory_space<vmem>>, vector<16xi32>,
    %swap3A_351 = vector.shape_cast %swap3A_350 : vector<16xi32> to vector<16xi32>
    %swap3A_352 = vector.shape_cast %add3A_348 : vector<16xi32> to vector<16xi32>
    tpu.vector_store %arg13[%swap3A_349], %swap3A_352 {strides = array<i32>} : memref<128xi32, #tpu.memory_space<vmem>>, vector<16xi32>,
    %add3A_353 = arith.constant 1179648 : i32
    %add3A_354 = vector.broadcast %add3A_353 : i32 to vector<16xi32>
    %add3A_355 = arith.addi %add3A_69, %add3A_354 : vector<16xi32>
    %swap3A_356 = arith.constant 64 : index
    %swap3A_357 = tpu.vector_load %arg13[%swap3A_356] {strides = array<i32>} : memref<128xi32, #tpu.memory_space<vmem>>, vector<16xi32>,
    %swap3A_358 = vector.shape_cast %swap3A_357 : vector<16xi32> to vector<16xi32>
    %swap3A_359 = vector.shape_cast %add3A_355 : vector<16xi32> to vector<16xi32>
    tpu.vector_store %arg13[%swap3A_356], %swap3A_359 {strides = array<i32>} : memref<128xi32, #tpu.memory_space<vmem>>, vector<16xi32>,
    %add3A_360 = arith.constant 1212416 : i32
    %add3A_361 = vector.broadcast %add3A_360 : i32 to vector<16xi32>
    %add3A_362 = arith.addi %add3A_69, %add3A_361 : vector<16xi32>
    %swap3A_363 = arith.constant 80 : index
    %swap3A_364 = tpu.vector_load %arg13[%swap3A_363] {strides = array<i32>} : memref<128xi32, #tpu.memory_space<vmem>>, vector<16xi32>,
    %swap3A_365 = vector.shape_cast %swap3A_364 : vector<16xi32> to vector<16xi32>
    %swap3A_366 = vector.shape_cast %add3A_362 : vector<16xi32> to vector<16xi32>
    tpu.vector_store %arg13[%swap3A_363], %swap3A_366 {strides = array<i32>} : memref<128xi32, #tpu.memory_space<vmem>>, vector<16xi32>,
    %add3A_367 = arith.constant 1245184 : i32
    %add3A_368 = vector.broadcast %add3A_367 : i32 to vector<16xi32>
    %add3A_369 = arith.addi %add3A_69, %add3A_368 : vector<16xi32>
    %swap3A_370 = arith.constant 96 : index
    %swap3A_371 = tpu.vector_load %arg13[%swap3A_370] {strides = array<i32>} : memref<128xi32, #tpu.memory_space<vmem>>, vector<16xi32>,
    %swap3A_372 = vector.shape_cast %swap3A_371 : vector<16xi32> to vector<16xi32>
    %swap3A_373 = vector.shape_cast %add3A_369 : vector<16xi32> to vector<16xi32>
    tpu.vector_store %arg13[%swap3A_370], %swap3A_373 {strides = array<i32>} : memref<128xi32, #tpu.memory_space<vmem>>, vector<16xi32>,
    %add3A_374 = arith.constant 1277952 : i32
    %add3A_375 = vector.broadcast %add3A_374 : i32 to vector<16xi32>
    %add3A_376 = arith.addi %add3A_69, %add3A_375 : vector<16xi32>
    %swap3A_377 = arith.constant 112 : index
    %swap3A_378 = tpu.vector_load %arg13[%swap3A_377] {strides = array<i32>} : memref<128xi32, #tpu.memory_space<vmem>>, vector<16xi32>,
    %swap3A_379 = vector.shape_cast %swap3A_378 : vector<16xi32> to vector<16xi32>
    %swap3A_380 = vector.shape_cast %add3A_376 : vector<16xi32> to vector<16xi32>
    tpu.vector_store %arg13[%swap3A_377], %swap3A_380 {strides = array<i32>} : memref<128xi32, #tpu.memory_space<vmem>>, vector<16xi32>,
    %add3A_381 = arith.constant 1310720 : i32
    %add3A_382 = vector.broadcast %add3A_381 : i32 to vector<16xi32>
    %add3A_383 = arith.addi %add3A_69, %add3A_382 : vector<16xi32>
    %swap3A_384 = arith.constant 0 : index
    %swap3A_385 = tpu.vector_load %arg14[%swap3A_384] {strides = array<i32>} : memref<128xi32, #tpu.memory_space<vmem>>, vector<16xi32>,
    %swap3A_386 = vector.shape_cast %swap3A_385 : vector<16xi32> to vector<16xi32>
    %swap3A_387 = vector.shape_cast %add3A_383 : vector<16xi32> to vector<16xi32>
    tpu.vector_store %arg14[%swap3A_384], %swap3A_387 {strides = array<i32>} : memref<128xi32, #tpu.memory_space<vmem>>, vector<16xi32>,
    %add3A_388 = arith.constant 1343488 : i32
    %add3A_389 = vector.broadcast %add3A_388 : i32 to vector<16xi32>
    %add3A_390 = arith.addi %add3A_69, %add3A_389 : vector<16xi32>
    %swap3A_391 = arith.constant 16 : index
    %swap3A_392 = tpu.vector_load %arg14[%swap3A_391] {strides = array<i32>} : memref<128xi32, #tpu.memory_space<vmem>>, vector<16xi32>,
    %swap3A_393 = vector.shape_cast %swap3A_392 : vector<16xi32> to vector<16xi32>
    %swap3A_394 = vector.shape_cast %add3A_390 : vector<16xi32> to vector<16xi32>
    tpu.vector_store %arg14[%swap3A_391], %swap3A_394 {strides = array<i32>} : memref<128xi32, #tpu.memory_space<vmem>>, vector<16xi32>,
    %add3A_395 = arith.constant 1376256 : i32
    %add3A_396 = vector.broadcast %add3A_395 : i32 to vector<16xi32>
    %add3A_397 = arith.addi %add3A_69, %add3A_396 : vector<16xi32>
    %swap3A_398 = arith.constant 32 : index
    %swap3A_399 = tpu.vector_load %arg14[%swap3A_398] {strides = array<i32>} : memref<128xi32, #tpu.memory_space<vmem>>, vector<16xi32>,
    %swap3A_400 = vector.shape_cast %swap3A_399 : vector<16xi32> to vector<16xi32>
    %swap3A_401 = vector.shape_cast %add3A_397 : vector<16xi32> to vector<16xi32>
    tpu.vector_store %arg14[%swap3A_398], %swap3A_401 {strides = array<i32>} : memref<128xi32, #tpu.memory_space<vmem>>, vector<16xi32>,
    %add3A_402 = arith.constant 1409024 : i32
    %add3A_403 = vector.broadcast %add3A_402 : i32 to vector<16xi32>
    %add3A_404 = arith.addi %add3A_69, %add3A_403 : vector<16xi32>
    %swap3A_405 = arith.constant 48 : index
    %swap3A_406 = tpu.vector_load %arg14[%swap3A_405] {strides = array<i32>} : memref<128xi32, #tpu.memory_space<vmem>>, vector<16xi32>,
    %swap3A_407 = vector.shape_cast %swap3A_406 : vector<16xi32> to vector<16xi32>
    %swap3A_408 = vector.shape_cast %add3A_404 : vector<16xi32> to vector<16xi32>
    tpu.vector_store %arg14[%swap3A_405], %swap3A_408 {strides = array<i32>} : memref<128xi32, #tpu.memory_space<vmem>>, vector<16xi32>,
    %add3A_409 = arith.constant 1441792 : i32
    %add3A_410 = vector.broadcast %add3A_409 : i32 to vector<16xi32>
    %add3A_411 = arith.addi %add3A_69, %add3A_410 : vector<16xi32>
    %swap3A_412 = arith.constant 64 : index
    %swap3A_413 = tpu.vector_load %arg14[%swap3A_412] {strides = array<i32>} : memref<128xi32, #tpu.memory_space<vmem>>, vector<16xi32>,
    %swap3A_414 = vector.shape_cast %swap3A_413 : vector<16xi32> to vector<16xi32>
    %swap3A_415 = vector.shape_cast %add3A_411 : vector<16xi32> to vector<16xi32>
    tpu.vector_store %arg14[%swap3A_412], %swap3A_415 {strides = array<i32>} : memref<128xi32, #tpu.memory_space<vmem>>, vector<16xi32>,
    %add3A_416 = arith.constant 1474560 : i32
    %add3A_417 = vector.broadcast %add3A_416 : i32 to vector<16xi32>
    %add3A_418 = arith.addi %add3A_69, %add3A_417 : vector<16xi32>
    %swap3A_419 = arith.constant 80 : index
    %swap3A_420 = tpu.vector_load %arg14[%swap3A_419] {strides = array<i32>} : memref<128xi32, #tpu.memory_space<vmem>>, vector<16xi32>,
    %swap3A_421 = vector.shape_cast %swap3A_420 : vector<16xi32> to vector<16xi32>
    %swap3A_422 = vector.shape_cast %add3A_418 : vector<16xi32> to vector<16xi32>
    tpu.vector_store %arg14[%swap3A_419], %swap3A_422 {strides = array<i32>} : memref<128xi32, #tpu.memory_space<vmem>>, vector<16xi32>,
    %add3A_423 = arith.constant 1507328 : i32
    %add3A_424 = vector.broadcast %add3A_423 : i32 to vector<16xi32>
    %add3A_425 = arith.addi %add3A_69, %add3A_424 : vector<16xi32>
    %swap3A_426 = arith.constant 96 : index
    %swap3A_427 = tpu.vector_load %arg14[%swap3A_426] {strides = array<i32>} : memref<128xi32, #tpu.memory_space<vmem>>, vector<16xi32>,
    %swap3A_428 = vector.shape_cast %swap3A_427 : vector<16xi32> to vector<16xi32>
    %swap3A_429 = vector.shape_cast %add3A_425 : vector<16xi32> to vector<16xi32>
    tpu.vector_store %arg14[%swap3A_426], %swap3A_429 {strides = array<i32>} : memref<128xi32, #tpu.memory_space<vmem>>, vector<16xi32>,
    %add3A_430 = arith.constant 1540096 : i32
    %add3A_431 = vector.broadcast %add3A_430 : i32 to vector<16xi32>
    %add3A_432 = arith.addi %add3A_69, %add3A_431 : vector<16xi32>
    %swap3A_433 = arith.constant 112 : index
    %swap3A_434 = tpu.vector_load %arg14[%swap3A_433] {strides = array<i32>} : memref<128xi32, #tpu.memory_space<vmem>>, vector<16xi32>,
    %swap3A_435 = vector.shape_cast %swap3A_434 : vector<16xi32> to vector<16xi32>
    %swap3A_436 = vector.shape_cast %add3A_432 : vector<16xi32> to vector<16xi32>
    tpu.vector_store %arg14[%swap3A_433], %swap3A_436 {strides = array<i32>} : memref<128xi32, #tpu.memory_space<vmem>>, vector<16xi32>,
    %add3A_437 = arith.constant 1572864 : i32
    %add3A_438 = vector.broadcast %add3A_437 : i32 to vector<16xi32>
    %add3A_439 = arith.addi %add3A_69, %add3A_438 : vector<16xi32>
    %swap3A_440 = arith.constant 0 : index
    %swap3A_441 = tpu.vector_load %arg15[%swap3A_440] {strides = array<i32>} : memref<128xi32, #tpu.memory_space<vmem>>, vector<16xi32>,
    %swap3A_442 = vector.shape_cast %swap3A_441 : vector<16xi32> to vector<16xi32>
    %swap3A_443 = vector.shape_cast %add3A_439 : vector<16xi32> to vector<16xi32>
    tpu.vector_store %arg15[%swap3A_440], %swap3A_443 {strides = array<i32>} : memref<128xi32, #tpu.memory_space<vmem>>, vector<16xi32>,
    %add3A_444 = arith.constant 1605632 : i32
    %add3A_445 = vector.broadcast %add3A_444 : i32 to vector<16xi32>
    %add3A_446 = arith.addi %add3A_69, %add3A_445 : vector<16xi32>
    %swap3A_447 = arith.constant 16 : index
    %swap3A_448 = tpu.vector_load %arg15[%swap3A_447] {strides = array<i32>} : memref<128xi32, #tpu.memory_space<vmem>>, vector<16xi32>,
    %swap3A_449 = vector.shape_cast %swap3A_448 : vector<16xi32> to vector<16xi32>
    %swap3A_450 = vector.shape_cast %add3A_446 : vector<16xi32> to vector<16xi32>
    tpu.vector_store %arg15[%swap3A_447], %swap3A_450 {strides = array<i32>} : memref<128xi32, #tpu.memory_space<vmem>>, vector<16xi32>,
    %add3A_451 = arith.constant 1638400 : i32
    %add3A_452 = vector.broadcast %add3A_451 : i32 to vector<16xi32>
    %add3A_453 = arith.addi %add3A_69, %add3A_452 : vector<16xi32>
    %swap3A_454 = arith.constant 32 : index
    %swap3A_455 = tpu.vector_load %arg15[%swap3A_454] {strides = array<i32>} : memref<128xi32, #tpu.memory_space<vmem>>, vector<16xi32>,
    %swap3A_456 = vector.shape_cast %swap3A_455 : vector<16xi32> to vector<16xi32>
    %swap3A_457 = vector.shape_cast %add3A_453 : vector<16xi32> to vector<16xi32>
    tpu.vector_store %arg15[%swap3A_454], %swap3A_457 {strides = array<i32>} : memref<128xi32, #tpu.memory_space<vmem>>, vector<16xi32>,
    %add3A_458 = arith.constant 1671168 : i32
    %add3A_459 = vector.broadcast %add3A_458 : i32 to vector<16xi32>
    %add3A_460 = arith.addi %add3A_69, %add3A_459 : vector<16xi32>
    %swap3A_461 = arith.constant 48 : index
    %swap3A_462 = tpu.vector_load %arg15[%swap3A_461] {strides = array<i32>} : memref<128xi32, #tpu.memory_space<vmem>>, vector<16xi32>,
    %swap3A_463 = vector.shape_cast %swap3A_462 : vector<16xi32> to vector<16xi32>
    %swap3A_464 = vector.shape_cast %add3A_460 : vector<16xi32> to vector<16xi32>
    tpu.vector_store %arg15[%swap3A_461], %swap3A_464 {strides = array<i32>} : memref<128xi32, #tpu.memory_space<vmem>>, vector<16xi32>,
    %add3A_465 = arith.constant 1703936 : i32
    %add3A_466 = vector.broadcast %add3A_465 : i32 to vector<16xi32>
    %add3A_467 = arith.addi %add3A_69, %add3A_466 : vector<16xi32>
    %swap3A_468 = arith.constant 64 : index
    %swap3A_469 = tpu.vector_load %arg15[%swap3A_468] {strides = array<i32>} : memref<128xi32, #tpu.memory_space<vmem>>, vector<16xi32>,
    %swap3A_470 = vector.shape_cast %swap3A_469 : vector<16xi32> to vector<16xi32>
    %swap3A_471 = vector.shape_cast %add3A_467 : vector<16xi32> to vector<16xi32>
    tpu.vector_store %arg15[%swap3A_468], %swap3A_471 {strides = array<i32>} : memref<128xi32, #tpu.memory_space<vmem>>, vector<16xi32>,
    %add3A_472 = arith.constant 1736704 : i32
    %add3A_473 = vector.broadcast %add3A_472 : i32 to vector<16xi32>
    %add3A_474 = arith.addi %add3A_69, %add3A_473 : vector<16xi32>
    %swap3A_475 = arith.constant 80 : index
    %swap3A_476 = tpu.vector_load %arg15[%swap3A_475] {strides = array<i32>} : memref<128xi32, #tpu.memory_space<vmem>>, vector<16xi32>,
    %swap3A_477 = vector.shape_cast %swap3A_476 : vector<16xi32> to vector<16xi32>
    %swap3A_478 = vector.shape_cast %add3A_474 : vector<16xi32> to vector<16xi32>
    tpu.vector_store %arg15[%swap3A_475], %swap3A_478 {strides = array<i32>} : memref<128xi32, #tpu.memory_space<vmem>>, vector<16xi32>,
    %add3A_479 = arith.constant 1769472 : i32
    %add3A_480 = vector.broadcast %add3A_479 : i32 to vector<16xi32>
    %add3A_481 = arith.addi %add3A_69, %add3A_480 : vector<16xi32>
    %swap3A_482 = arith.constant 96 : index
    %swap3A_483 = tpu.vector_load %arg15[%swap3A_482] {strides = array<i32>} : memref<128xi32, #tpu.memory_space<vmem>>, vector<16xi32>,
    %swap3A_484 = vector.shape_cast %swap3A_483 : vector<16xi32> to vector<16xi32>
    %swap3A_485 = vector.shape_cast %add3A_481 : vector<16xi32> to vector<16xi32>
    tpu.vector_store %arg15[%swap3A_482], %swap3A_485 {strides = array<i32>} : memref<128xi32, #tpu.memory_space<vmem>>, vector<16xi32>,
    %add3A_486 = arith.constant 1802240 : i32
    %add3A_487 = vector.broadcast %add3A_486 : i32 to vector<16xi32>
    %add3A_488 = arith.addi %add3A_69, %add3A_487 : vector<16xi32>
    %swap3A_489 = arith.constant 112 : index
    %swap3A_490 = tpu.vector_load %arg15[%swap3A_489] {strides = array<i32>} : memref<128xi32, #tpu.memory_space<vmem>>, vector<16xi32>,
    %swap3A_491 = vector.shape_cast %swap3A_490 : vector<16xi32> to vector<16xi32>
    %swap3A_492 = vector.shape_cast %add3A_488 : vector<16xi32> to vector<16xi32>
    tpu.vector_store %arg15[%swap3A_489], %swap3A_492 {strides = array<i32>} : memref<128xi32, #tpu.memory_space<vmem>>, vector<16xi32>,
    %add3A_493 = arith.constant 1835008 : i32
    %add3A_494 = vector.broadcast %add3A_493 : i32 to vector<16xi32>
    %add3A_495 = arith.addi %add3A_69, %add3A_494 : vector<16xi32>
    %swap3A_496 = arith.constant 0 : index
    %swap3A_497 = tpu.vector_load %arg16[%swap3A_496] {strides = array<i32>} : memref<128xi32, #tpu.memory_space<vmem>>, vector<16xi32>,
    %swap3A_498 = vector.shape_cast %swap3A_497 : vector<16xi32> to vector<16xi32>
    %swap3A_499 = vector.shape_cast %add3A_495 : vector<16xi32> to vector<16xi32>
    tpu.vector_store %arg16[%swap3A_496], %swap3A_499 {strides = array<i32>} : memref<128xi32, #tpu.memory_space<vmem>>, vector<16xi32>,
    %add3A_500 = arith.constant 1867776 : i32
    %add3A_501 = vector.broadcast %add3A_500 : i32 to vector<16xi32>
    %add3A_502 = arith.addi %add3A_69, %add3A_501 : vector<16xi32>
    %swap3A_503 = arith.constant 16 : index
    %swap3A_504 = tpu.vector_load %arg16[%swap3A_503] {strides = array<i32>} : memref<128xi32, #tpu.memory_space<vmem>>, vector<16xi32>,
    %swap3A_505 = vector.shape_cast %swap3A_504 : vector<16xi32> to vector<16xi32>
    %swap3A_506 = vector.shape_cast %add3A_502 : vector<16xi32> to vector<16xi32>
    tpu.vector_store %arg16[%swap3A_503], %swap3A_506 {strides = array<i32>} : memref<128xi32, #tpu.memory_space<vmem>>, vector<16xi32>,
    %add3A_507 = arith.constant 1900544 : i32
    %add3A_508 = vector.broadcast %add3A_507 : i32 to vector<16xi32>
    %add3A_509 = arith.addi %add3A_69, %add3A_508 : vector<16xi32>
    %swap3A_510 = arith.constant 32 : index
    %swap3A_511 = tpu.vector_load %arg16[%swap3A_510] {strides = array<i32>} : memref<128xi32, #tpu.memory_space<vmem>>, vector<16xi32>,
    %swap3A_512 = vector.shape_cast %swap3A_511 : vector<16xi32> to vector<16xi32>
    %swap3A_513 = vector.shape_cast %add3A_509 : vector<16xi32> to vector<16xi32>
    tpu.vector_store %arg16[%swap3A_510], %swap3A_513 {strides = array<i32>} : memref<128xi32, #tpu.memory_space<vmem>>, vector<16xi32>,
    %add3A_514 = arith.constant 1933312 : i32
    %add3A_515 = vector.broadcast %add3A_514 : i32 to vector<16xi32>
    %add3A_516 = arith.addi %add3A_69, %add3A_515 : vector<16xi32>
    %swap3A_517 = arith.constant 48 : index
    %swap3A_518 = tpu.vector_load %arg16[%swap3A_517] {strides = array<i32>} : memref<128xi32, #tpu.memory_space<vmem>>, vector<16xi32>,
    %swap3A_519 = vector.shape_cast %swap3A_518 : vector<16xi32> to vector<16xi32>
    %swap3A_520 = vector.shape_cast %add3A_516 : vector<16xi32> to vector<16xi32>
    tpu.vector_store %arg16[%swap3A_517], %swap3A_520 {strides = array<i32>} : memref<128xi32, #tpu.memory_space<vmem>>, vector<16xi32>,
    %add3A_521 = arith.constant 1966080 : i32
    %add3A_522 = vector.broadcast %add3A_521 : i32 to vector<16xi32>
    %add3A_523 = arith.addi %add3A_69, %add3A_522 : vector<16xi32>
    %swap3A_524 = arith.constant 64 : index
    %swap3A_525 = tpu.vector_load %arg16[%swap3A_524] {strides = array<i32>} : memref<128xi32, #tpu.memory_space<vmem>>, vector<16xi32>,
    %swap3A_526 = vector.shape_cast %swap3A_525 : vector<16xi32> to vector<16xi32>
    %swap3A_527 = vector.shape_cast %add3A_523 : vector<16xi32> to vector<16xi32>
    tpu.vector_store %arg16[%swap3A_524], %swap3A_527 {strides = array<i32>} : memref<128xi32, #tpu.memory_space<vmem>>, vector<16xi32>,
    %add3A_528 = arith.constant 1998848 : i32
    %add3A_529 = vector.broadcast %add3A_528 : i32 to vector<16xi32>
    %add3A_530 = arith.addi %add3A_69, %add3A_529 : vector<16xi32>
    %swap3A_531 = arith.constant 80 : index
    %swap3A_532 = tpu.vector_load %arg16[%swap3A_531] {strides = array<i32>} : memref<128xi32, #tpu.memory_space<vmem>>, vector<16xi32>,
    %swap3A_533 = vector.shape_cast %swap3A_532 : vector<16xi32> to vector<16xi32>
    %swap3A_534 = vector.shape_cast %add3A_530 : vector<16xi32> to vector<16xi32>
    tpu.vector_store %arg16[%swap3A_531], %swap3A_534 {strides = array<i32>} : memref<128xi32, #tpu.memory_space<vmem>>, vector<16xi32>,
    %add3A_535 = arith.constant 2031616 : i32
    %add3A_536 = vector.broadcast %add3A_535 : i32 to vector<16xi32>
    %add3A_537 = arith.addi %add3A_69, %add3A_536 : vector<16xi32>
    %swap3A_538 = arith.constant 96 : index
    %swap3A_539 = tpu.vector_load %arg16[%swap3A_538] {strides = array<i32>} : memref<128xi32, #tpu.memory_space<vmem>>, vector<16xi32>,
    %swap3A_540 = vector.shape_cast %swap3A_539 : vector<16xi32> to vector<16xi32>
    %swap3A_541 = vector.shape_cast %add3A_537 : vector<16xi32> to vector<16xi32>
    tpu.vector_store %arg16[%swap3A_538], %swap3A_541 {strides = array<i32>} : memref<128xi32, #tpu.memory_space<vmem>>, vector<16xi32>,
    %add3A_542 = arith.constant 2064384 : i32
    %add3A_543 = vector.broadcast %add3A_542 : i32 to vector<16xi32>
    %add3A_544 = arith.addi %add3A_69, %add3A_543 : vector<16xi32>
    %swap3A_545 = arith.constant 112 : index
    %swap3A_546 = tpu.vector_load %arg16[%swap3A_545] {strides = array<i32>} : memref<128xi32, #tpu.memory_space<vmem>>, vector<16xi32>,
    %swap3A_547 = vector.shape_cast %swap3A_546 : vector<16xi32> to vector<16xi32>
    %swap3A_548 = vector.shape_cast %add3A_544 : vector<16xi32> to vector<16xi32>
    tpu.vector_store %arg16[%swap3A_545], %swap3A_548 {strides = array<i32>} : memref<128xi32, #tpu.memory_space<vmem>>, vector<16xi32>,
    %dma_start3A = arith.constant 0 : i32
    %dma_start3A_549 = tpu.memref_slice %arg4[%dma_start3A] : memref<67108864xf32, #tpu.memory_space<hbm>> -> memref<67108864xf32, #tpu.memory_space<hbm>>
    tpu.enqueue_indirect_dma source(%arg8 : memref<128xf32, #tpu.memory_space<vmem>>) target(%dma_start3A_549 : memref<67108864xf32, #tpu.memory_space<hbm>>) offsets(%arg9 : memref<128xi32, #tpu.memory_space<vmem>>) semaphore(%arg17 : memref<!tpu.dma_semaphore, #tpu.memory_space<semaphore_mem>>)
    %dma_start3A_550 = arith.constant 0 : i32
    %dma_start3A_551 = tpu.memref_slice %arg4[%dma_start3A_550] : memref<67108864xf32, #tpu.memory_space<hbm>> -> memref<67108864xf32, #tpu.memory_space<hbm>>
    tpu.enqueue_indirect_dma source(%arg8 : memref<128xf32, #tpu.memory_space<vmem>>) target(%dma_start3A_551 : memref<67108864xf32, #tpu.memory_space<hbm>>) offsets(%arg10 : memref<128xi32, #tpu.memory_space<vmem>>) semaphore(%arg17 : memref<!tpu.dma_semaphore, #tpu.memory_space<semaphore_mem>>)
    %dma_start3A_552 = arith.constant 0 : i32
    %dma_start3A_553 = tpu.memref_slice %arg4[%dma_start3A_552] : memref<67108864xf32, #tpu.memory_space<hbm>> -> memref<67108864xf32, #tpu.memory_space<hbm>>
    tpu.enqueue_indirect_dma source(%arg8 : memref<128xf32, #tpu.memory_space<vmem>>) target(%dma_start3A_553 : memref<67108864xf32, #tpu.memory_space<hbm>>) offsets(%arg11 : memref<128xi32, #tpu.memory_space<vmem>>) semaphore(%arg17 : memref<!tpu.dma_semaphore, #tpu.memory_space<semaphore_mem>>)
    %dma_start3A_554 = arith.constant 0 : i32
    %dma_start3A_555 = tpu.memref_slice %arg4[%dma_start3A_554] : memref<67108864xf32, #tpu.memory_space<hbm>> -> memref<67108864xf32, #tpu.memory_space<hbm>>
    tpu.enqueue_indirect_dma source(%arg8 : memref<128xf32, #tpu.memory_space<vmem>>) target(%dma_start3A_555 : memref<67108864xf32, #tpu.memory_space<hbm>>) offsets(%arg12 : memref<128xi32, #tpu.memory_space<vmem>>) semaphore(%arg17 : memref<!tpu.dma_semaphore, #tpu.memory_space<semaphore_mem>>)
    %dma_start3A_556 = arith.constant 0 : i32
    %dma_start3A_557 = tpu.memref_slice %arg4[%dma_start3A_556] : memref<67108864xf32, #tpu.memory_space<hbm>> -> memref<67108864xf32, #tpu.memory_space<hbm>>
    tpu.enqueue_indirect_dma source(%arg8 : memref<128xf32, #tpu.memory_space<vmem>>) target(%dma_start3A_557 : memref<67108864xf32, #tpu.memory_space<hbm>>) offsets(%arg13 : memref<128xi32, #tpu.memory_space<vmem>>) semaphore(%arg17 : memref<!tpu.dma_semaphore, #tpu.memory_space<semaphore_mem>>)
    %dma_start3A_558 = arith.constant 0 : i32
    %dma_start3A_559 = tpu.memref_slice %arg4[%dma_start3A_558] : memref<67108864xf32, #tpu.memory_space<hbm>> -> memref<67108864xf32, #tpu.memory_space<hbm>>
    tpu.enqueue_indirect_dma source(%arg8 : memref<128xf32, #tpu.memory_space<vmem>>) target(%dma_start3A_559 : memref<67108864xf32, #tpu.memory_space<hbm>>) offsets(%arg14 : memref<128xi32, #tpu.memory_space<vmem>>) semaphore(%arg17 : memref<!tpu.dma_semaphore, #tpu.memory_space<semaphore_mem>>)
    %dma_start3A_560 = arith.constant 0 : i32
    %dma_start3A_561 = tpu.memref_slice %arg4[%dma_start3A_560] : memref<67108864xf32, #tpu.memory_space<hbm>> -> memref<67108864xf32, #tpu.memory_space<hbm>>
    tpu.enqueue_indirect_dma source(%arg8 : memref<128xf32, #tpu.memory_space<vmem>>) target(%dma_start3A_561 : memref<67108864xf32, #tpu.memory_space<hbm>>) offsets(%arg15 : memref<128xi32, #tpu.memory_space<vmem>>) semaphore(%arg17 : memref<!tpu.dma_semaphore, #tpu.memory_space<semaphore_mem>>)
    %dma_start3A_562 = arith.constant 0 : i32
    %dma_start3A_563 = tpu.memref_slice %arg4[%dma_start3A_562] : memref<67108864xf32, #tpu.memory_space<hbm>> -> memref<67108864xf32, #tpu.memory_space<hbm>>
    tpu.enqueue_indirect_dma source(%arg8 : memref<128xf32, #tpu.memory_space<vmem>>) target(%dma_start3A_563 : memref<67108864xf32, #tpu.memory_space<hbm>>) offsets(%arg16 : memref<128xi32, #tpu.memory_space<vmem>>) semaphore(%arg17 : memref<!tpu.dma_semaphore, #tpu.memory_space<semaphore_mem>>)
    %dma_wait3A = arith.constant 0 : i32
    %dma_wait3A_564 = tpu.memref_slice %arg4[%dma_wait3A] : memref<67108864xf32, #tpu.memory_space<hbm>> -> memref<67108864xf32, #tpu.memory_space<hbm>>
    tpu.wait_indirect_dma semaphore(%arg17 : memref<!tpu.dma_semaphore, #tpu.memory_space<semaphore_mem>>) src(%arg8 : memref<128xf32, #tpu.memory_space<vmem>>) dst(%dma_wait3A_564 : memref<67108864xf32, #tpu.memory_space<hbm>>)
    %dma_wait3A_565 = arith.constant 0 : i32
    %dma_wait3A_566 = tpu.memref_slice %arg4[%dma_wait3A_565] : memref<67108864xf32, #tpu.memory_space<hbm>> -> memref<67108864xf32, #tpu.memory_space<hbm>>
    tpu.wait_indirect_dma semaphore(%arg17 : memref<!tpu.dma_semaphore, #tpu.memory_space<semaphore_mem>>) src(%arg8 : memref<128xf32, #tpu.memory_space<vmem>>) dst(%dma_wait3A_566 : memref<67108864xf32, #tpu.memory_space<hbm>>)
    %dma_wait3A_567 = arith.constant 0 : i32
    %dma_wait3A_568 = tpu.memref_slice %arg4[%dma_wait3A_567] : memref<67108864xf32, #tpu.memory_space<hbm>> -> memref<67108864xf32, #tpu.memory_space<hbm>>
    tpu.wait_indirect_dma semaphore(%arg17 : memref<!tpu.dma_semaphore, #tpu.memory_space<semaphore_mem>>) src(%arg8 : memref<128xf32, #tpu.memory_space<vmem>>) dst(%dma_wait3A_568 : memref<67108864xf32, #tpu.memory_space<hbm>>)
    %dma_wait3A_569 = arith.constant 0 : i32
    %dma_wait3A_570 = tpu.memref_slice %arg4[%dma_wait3A_569] : memref<67108864xf32, #tpu.memory_space<hbm>> -> memref<67108864xf32, #tpu.memory_space<hbm>>
    tpu.wait_indirect_dma semaphore(%arg17 : memref<!tpu.dma_semaphore, #tpu.memory_space<semaphore_mem>>) src(%arg8 : memref<128xf32, #tpu.memory_space<vmem>>) dst(%dma_wait3A_570 : memref<67108864xf32, #tpu.memory_space<hbm>>)
    %dma_wait3A_571 = arith.constant 0 : i32
    %dma_wait3A_572 = tpu.memref_slice %arg4[%dma_wait3A_571] : memref<67108864xf32, #tpu.memory_space<hbm>> -> memref<67108864xf32, #tpu.memory_space<hbm>>
    tpu.wait_indirect_dma semaphore(%arg17 : memref<!tpu.dma_semaphore, #tpu.memory_space<semaphore_mem>>) src(%arg8 : memref<128xf32, #tpu.memory_space<vmem>>) dst(%dma_wait3A_572 : memref<67108864xf32, #tpu.memory_space<hbm>>)
    %dma_wait3A_573 = arith.constant 0 : i32
    %dma_wait3A_574 = tpu.memref_slice %arg4[%dma_wait3A_573] : memref<67108864xf32, #tpu.memory_space<hbm>> -> memref<67108864xf32, #tpu.memory_space<hbm>>
    tpu.wait_indirect_dma semaphore(%arg17 : memref<!tpu.dma_semaphore, #tpu.memory_space<semaphore_mem>>) src(%arg8 : memref<128xf32, #tpu.memory_space<vmem>>) dst(%dma_wait3A_574 : memref<67108864xf32, #tpu.memory_space<hbm>>)
    %dma_wait3A_575 = arith.constant 0 : i32
    %dma_wait3A_576 = tpu.memref_slice %arg4[%dma_wait3A_575] : memref<67108864xf32, #tpu.memory_space<hbm>> -> memref<67108864xf32, #tpu.memory_space<hbm>>
    tpu.wait_indirect_dma semaphore(%arg17 : memref<!tpu.dma_semaphore, #tpu.memory_space<semaphore_mem>>) src(%arg8 : memref<128xf32, #tpu.memory_space<vmem>>) dst(%dma_wait3A_576 : memref<67108864xf32, #tpu.memory_space<hbm>>)
    %dma_wait3A_577 = arith.constant 0 : i32
    %dma_wait3A_578 = tpu.memref_slice %arg4[%dma_wait3A_577] : memref<67108864xf32, #tpu.memory_space<hbm>> -> memref<67108864xf32, #tpu.memory_space<hbm>>
    tpu.wait_indirect_dma semaphore(%arg17 : memref<!tpu.dma_semaphore, #tpu.memory_space<semaphore_mem>>) src(%arg8 : memref<128xf32, #tpu.memory_space<vmem>>) dst(%dma_wait3A_578 : memref<67108864xf32, #tpu.memory_space<hbm>>)
    return
  }
}

module attributes {stable_mosaic.version = 14 : i64} {
  func.func @_copy_reduce_kernel(%arg0: i32, %arg1: i32, %arg2: memref<4xi32, #tpu.memory_space<smem>>, %arg3: memref<1x512x2048xf32, #tpu.memory_space<vmem>>, %arg4: memref<1x512x2048xf32, #tpu.memory_space<vmem>>, %arg5: memref<4xf32, #tpu.memory_space<smem>>, %arg6: memref<1x2048xf32, #tpu.memory_space<vmem>>, %arg7: memref<4x2xf32, #tpu.memory_space<smem>>) attributes {dimension_semantics = [#tpu.dimension_semantics<arbitrary>, #tpu.dimension_semantics<arbitrary>], iteration_bounds = array<i64: 4, 16>, scalar_prefetch = 1 : i64, scratch_operands = 2 : i64, tpu.core_type = #tpu.core_type<tc>, window_params = [{transform_indices = @transform_0, window_bounds = array<i64: 1, 512, 2048>}, {transform_indices = @transform_1, window_bounds = array<i64: 1, 512, 2048>}, {transform_indices = @transform_2, window_bounds = array<i64: 4>}]} {
    %get3A = arith.constant 0 : index
    %get3A_0 = arith.constant 0 : index
    %get3A_1 = arith.constant 0 : index
    %get3A_2 = vector.load %arg3[%get3A, %get3A_0, %get3A_1] : memref<1x512x2048xf32, #tpu.memory_space<vmem>>, vector<1x512x2048xf32>
    %get3A_3 = vector.shape_cast %get3A_2 : vector<1x512x2048xf32> to vector<512x2048xf32>
    %swap3A = arith.constant 0 : index
    %swap3A_4 = arith.constant 0 : index
    %swap3A_5 = arith.constant 0 : index
    %swap3A_6 = vector.load %arg4[%swap3A, %swap3A_4, %swap3A_5] : memref<1x512x2048xf32, #tpu.memory_space<vmem>>, vector<1x512x2048xf32>
    %swap3A_7 = vector.shape_cast %swap3A_6 : vector<1x512x2048xf32> to vector<512x2048xf32>
    %swap3A_8 = vector.shape_cast %get3A_3 : vector<512x2048xf32> to vector<1x512x2048xf32>
    tpu.vector_store %arg4[%swap3A, %swap3A_4, %swap3A_5], %swap3A_8 {strides = array<i32>} : memref<1x512x2048xf32, #tpu.memory_space<vmem>>, vector<1x512x2048xf32>,
    %reduce_min3A = arith.constant dense<0x7F800000> : vector<2048xf32>
    %reduce_min3A_9 = vector.multi_reduction <minimumf>, %get3A_3, %reduce_min3A [0] : vector<512x2048xf32> to vector<2048xf32>
    %broadcast_in_dim3A = vector.shape_cast %reduce_min3A_9 : vector<2048xf32> to vector<1x2048xf32>
    %eq3A = arith.constant 0 : i32
    %eq3A_10 = arith.cmpi eq, %arg1, %eq3A : i32
    %convert_element_type3A = arith.extui %eq3A_10 : i1 to i32
    %cond3A = arith.constant 0 : i32
    %cond3A_11 = arith.cmpi ne, %convert_element_type3A, %cond3A : i32
    scf.if %cond3A_11 {
      %swap3A_28 = arith.constant 0 : index
      %swap3A_29 = arith.constant 0 : index
      %swap3A_30 = vector.load %arg6[%swap3A_28, %swap3A_29] : memref<1x2048xf32, #tpu.memory_space<vmem>>, vector<1x2048xf32>
      tpu.vector_store %arg6[%swap3A_28, %swap3A_29], %broadcast_in_dim3A {strides = array<i32>} : memref<1x2048xf32, #tpu.memory_space<vmem>>, vector<1x2048xf32>,
    } else {
    }
    %ne3A = arith.constant 0 : i32
    %ne3A_12 = arith.cmpi ne, %arg1, %ne3A : i32
    %convert_element_type3A_13 = arith.extui %ne3A_12 : i1 to i32
    %cond3A_14 = arith.constant 0 : i32
    %cond3A_15 = arith.cmpi ne, %convert_element_type3A_13, %cond3A_14 : i32
    scf.if %cond3A_15 {
      %get3A_28 = arith.constant 0 : index
      %get3A_29 = arith.constant 0 : index
      %get3A_30 = vector.load %arg6[%get3A_28, %get3A_29] : memref<1x2048xf32, #tpu.memory_space<vmem>>, vector<1x2048xf32>
      %min3A = arith.minimumf %get3A_30, %broadcast_in_dim3A : vector<1x2048xf32>
      %swap3A_31 = arith.constant 0 : index
      %swap3A_32 = arith.constant 0 : index
      %swap3A_33 = vector.load %arg6[%swap3A_31, %swap3A_32] : memref<1x2048xf32, #tpu.memory_space<vmem>>, vector<1x2048xf32>
      tpu.vector_store %arg6[%swap3A_31, %swap3A_32], %min3A {strides = array<i32>} : memref<1x2048xf32, #tpu.memory_space<vmem>>, vector<1x2048xf32>,
    } else {
    }
    %eq3A_16 = arith.constant 15 : i32
    %eq3A_17 = arith.cmpi eq, %arg1, %eq3A_16 : i32
    %convert_element_type3A_18 = arith.extui %eq3A_17 : i1 to i32
    %cond3A_19 = arith.constant 0 : i32
    %cond3A_20 = arith.cmpi ne, %convert_element_type3A_18, %cond3A_19 : i32
    scf.if %cond3A_20 {
      %get3A_28 = arith.constant 0 : index
      %get3A_29 = arith.constant 0 : index
      %get3A_30 = vector.load %arg6[%get3A_28, %get3A_29] : memref<1x2048xf32, #tpu.memory_space<vmem>>, vector<1x2048xf32>
      %get3A_31 = arith.index_cast %arg0 : i32 to index
      %get3A_32 = memref.load %arg2[%get3A_31] : memref<4xi32, #tpu.memory_space<smem>>
      %iota3A = tpu.iota {dimensions = array<i32: 1>} : vector<1x2048xi32>
      %reduce_min3A_33 = vector.shape_cast %get3A_30 : vector<1x2048xf32> to vector<1x1x2048xf32>
      %reduce_min3A_34 = arith.constant dense<0x7F800000> : vector<1xf32>
      %reduce_min3A_35 = vector.multi_reduction <minimumf>, %reduce_min3A_33, %reduce_min3A_34 [1, 2] : vector<1x1x2048xf32> to vector<1xf32>
      %reduce_min3A_36 = vector.shape_cast %reduce_min3A_35 : vector<1xf32> to vector<1x1x1xf32>
      %reduce_min3A_37 = vector.extract %reduce_min3A_36[0, 0, 0] : f32 from vector<1x1x1xf32>
      %swap3A_38 = arith.index_cast %arg0 : i32 to index
      %swap3A_39 = arith.constant 0 : index
      %swap3A_40 = memref.load %arg7[%swap3A_38, %swap3A_39] : memref<4x2xf32, #tpu.memory_space<smem>>
      memref.store %reduce_min3A_37, %arg7[%swap3A_38, %swap3A_39] : memref<4x2xf32, #tpu.memory_space<smem>>
      %eq3A_41 = vector.broadcast %get3A_32 : i32 to vector<1x2048xi32>
      %eq3A_42 = arith.cmpi eq, %iota3A, %eq3A_41 : vector<1x2048xi32>
      %jit3A = arith.constant 0x7F800000 : f32
      %broadcast_in_dim3A_43 = vector.broadcast %jit3A : f32 to vector<1x2048xf32>
      %select_n3A = arith.select %eq3A_42, %broadcast_in_dim3A_43, %get3A_30 : vector<1x2048xi1>, vector<1x2048xf32>
      %reduce_min3A_44 = vector.shape_cast %select_n3A : vector<1x2048xf32> to vector<1x1x2048xf32>
      %reduce_min3A_45 = arith.constant dense<0x7F800000> : vector<1xf32>
      %reduce_min3A_46 = vector.multi_reduction <minimumf>, %reduce_min3A_44, %reduce_min3A_45 [1, 2] : vector<1x1x2048xf32> to vector<1xf32>
      %reduce_min3A_47 = vector.shape_cast %reduce_min3A_46 : vector<1xf32> to vector<1x1x1xf32>
      %reduce_min3A_48 = vector.extract %reduce_min3A_47[0, 0, 0] : f32 from vector<1x1x1xf32>
      %swap3A_49 = arith.index_cast %arg0 : i32 to index
      %swap3A_50 = arith.constant 1 : index
      %swap3A_51 = memref.load %arg7[%swap3A_49, %swap3A_50] : memref<4x2xf32, #tpu.memory_space<smem>>
      memref.store %reduce_min3A_48, %arg7[%swap3A_49, %swap3A_50] : memref<4x2xf32, #tpu.memory_space<smem>>
    } else {
    }
    %eq3A_21 = arith.constant 3 : i32
    %eq3A_22 = arith.cmpi eq, %arg0, %eq3A_21 : i32
    %eq3A_23 = arith.constant 15 : i32
    %eq3A_24 = arith.cmpi eq, %arg1, %eq3A_23 : i32
    %and3A = arith.andi %eq3A_22, %eq3A_24 : i1
    %convert_element_type3A_25 = arith.extui %and3A : i1 to i32
    %cond3A_26 = arith.constant 0 : i32
    %cond3A_27 = arith.cmpi ne, %convert_element_type3A_25, %cond3A_26 : i32
    scf.if %cond3A_27 {
      %get3A_28 = arith.constant 0 : index
      %get3A_29 = arith.constant 0 : index
      %get3A_30 = memref.load %arg7[%get3A_28, %get3A_29] : memref<4x2xf32, #tpu.memory_space<smem>>
      %get3A_31 = arith.constant 1 : index
      %get3A_32 = arith.constant 0 : index
      %get3A_33 = memref.load %arg7[%get3A_31, %get3A_32] : memref<4x2xf32, #tpu.memory_space<smem>>
      %min3A = arith.minimumf %get3A_30, %get3A_33 : f32
      %get3A_34 = arith.constant 2 : index
      %get3A_35 = arith.constant 0 : index
      %get3A_36 = memref.load %arg7[%get3A_34, %get3A_35] : memref<4x2xf32, #tpu.memory_space<smem>>
      %min3A_37 = arith.minimumf %min3A, %get3A_36 : f32
      %get3A_38 = arith.constant 3 : index
      %get3A_39 = arith.constant 0 : index
      %get3A_40 = memref.load %arg7[%get3A_38, %get3A_39] : memref<4x2xf32, #tpu.memory_space<smem>>
      %min3A_41 = arith.minimumf %min3A_37, %get3A_40 : f32
      %min3A_42 = arith.constant 0x7F800000 : f32
      %min3A_43 = arith.minimumf %min3A_42, %min3A_41 : f32
      %eq3A_44 = arith.constant 0.000000e+00 : f32
      %eq3A_45 = arith.cmpf oeq, %min3A_43, %eq3A_44 : f32
      %sub3A = arith.constant 1.000000e+05 : f32
      %sub3A_46 = arith.subf %min3A_43, %sub3A : f32
      %jit3A = arith.constant 0.000000e+00 : f32
      %select_n3A = arith.select %eq3A_45, %jit3A, %sub3A_46 : f32
      %swap3A_47 = arith.constant 0 : index
      %swap3A_48 = memref.load %arg5[%swap3A_47] : memref<4xf32, #tpu.memory_space<smem>>
      memref.store %select_n3A, %arg5[%swap3A_47] : memref<4xf32, #tpu.memory_space<smem>>
      %get3A_49 = arith.constant 0 : index
      %get3A_50 = arith.constant 1 : index
      %get3A_51 = memref.load %arg7[%get3A_49, %get3A_50] : memref<4x2xf32, #tpu.memory_space<smem>>
      %min3A_52 = arith.minimumf %get3A_51, %select_n3A : f32
      %min3A_53 = arith.constant 0x7F800000 : f32
      %min3A_54 = arith.minimumf %min3A_53, %min3A_52 : f32
      %get3A_55 = arith.constant 1 : index
      %get3A_56 = arith.constant 0 : index
      %get3A_57 = memref.load %arg7[%get3A_55, %get3A_56] : memref<4x2xf32, #tpu.memory_space<smem>>
      %get3A_58 = arith.constant 2 : index
      %get3A_59 = arith.constant 0 : index
      %get3A_60 = memref.load %arg7[%get3A_58, %get3A_59] : memref<4x2xf32, #tpu.memory_space<smem>>
      %min3A_61 = arith.minimumf %get3A_57, %get3A_60 : f32
      %get3A_62 = arith.constant 3 : index
      %get3A_63 = arith.constant 0 : index
      %get3A_64 = memref.load %arg7[%get3A_62, %get3A_63] : memref<4x2xf32, #tpu.memory_space<smem>>
      %min3A_65 = arith.minimumf %min3A_61, %get3A_64 : f32
      %min3A_66 = arith.minimumf %min3A_54, %min3A_65 : f32
      %eq3A_67 = arith.constant 0.000000e+00 : f32
      %eq3A_68 = arith.cmpf oeq, %min3A_66, %eq3A_67 : f32
      %sub3A_69 = arith.constant 1.000000e+05 : f32
      %sub3A_70 = arith.subf %min3A_66, %sub3A_69 : f32
      %jit3A_71 = arith.constant 0.000000e+00 : f32
      %select_n3A_72 = arith.select %eq3A_68, %jit3A_71, %sub3A_70 : f32
      %swap3A_73 = arith.constant 1 : index
      %swap3A_74 = memref.load %arg5[%swap3A_73] : memref<4xf32, #tpu.memory_space<smem>>
      memref.store %select_n3A_72, %arg5[%swap3A_73] : memref<4xf32, #tpu.memory_space<smem>>
      %get3A_75 = arith.constant 1 : index
      %get3A_76 = arith.constant 1 : index
      %get3A_77 = memref.load %arg7[%get3A_75, %get3A_76] : memref<4x2xf32, #tpu.memory_space<smem>>
      %min3A_78 = arith.minimumf %get3A_77, %select_n3A_72 : f32
      %min3A_79 = arith.minimumf %min3A_54, %min3A_78 : f32
      %get3A_80 = arith.constant 2 : index
      %get3A_81 = arith.constant 0 : index
      %get3A_82 = memref.load %arg7[%get3A_80, %get3A_81] : memref<4x2xf32, #tpu.memory_space<smem>>
      %get3A_83 = arith.constant 3 : index
      %get3A_84 = arith.constant 0 : index
      %get3A_85 = memref.load %arg7[%get3A_83, %get3A_84] : memref<4x2xf32, #tpu.memory_space<smem>>
      %min3A_86 = arith.minimumf %get3A_82, %get3A_85 : f32
      %min3A_87 = arith.minimumf %min3A_79, %min3A_86 : f32
      %eq3A_88 = arith.constant 0.000000e+00 : f32
      %eq3A_89 = arith.cmpf oeq, %min3A_87, %eq3A_88 : f32
      %sub3A_90 = arith.constant 1.000000e+05 : f32
      %sub3A_91 = arith.subf %min3A_87, %sub3A_90 : f32
      %jit3A_92 = arith.constant 0.000000e+00 : f32
      %select_n3A_93 = arith.select %eq3A_89, %jit3A_92, %sub3A_91 : f32
      %swap3A_94 = arith.constant 2 : index
      %swap3A_95 = memref.load %arg5[%swap3A_94] : memref<4xf32, #tpu.memory_space<smem>>
      memref.store %select_n3A_93, %arg5[%swap3A_94] : memref<4xf32, #tpu.memory_space<smem>>
      %get3A_96 = arith.constant 2 : index
      %get3A_97 = arith.constant 1 : index
      %get3A_98 = memref.load %arg7[%get3A_96, %get3A_97] : memref<4x2xf32, #tpu.memory_space<smem>>
      %min3A_99 = arith.minimumf %get3A_98, %select_n3A_93 : f32
      %min3A_100 = arith.minimumf %min3A_79, %min3A_99 : f32
      %get3A_101 = arith.constant 3 : index
      %get3A_102 = arith.constant 0 : index
      %get3A_103 = memref.load %arg7[%get3A_101, %get3A_102] : memref<4x2xf32, #tpu.memory_space<smem>>
      %min3A_104 = arith.minimumf %min3A_100, %get3A_103 : f32
      %eq3A_105 = arith.constant 0.000000e+00 : f32
      %eq3A_106 = arith.cmpf oeq, %min3A_104, %eq3A_105 : f32
      %sub3A_107 = arith.constant 1.000000e+05 : f32
      %sub3A_108 = arith.subf %min3A_104, %sub3A_107 : f32
      %jit3A_109 = arith.constant 0.000000e+00 : f32
      %select_n3A_110 = arith.select %eq3A_106, %jit3A_109, %sub3A_108 : f32
      %swap3A_111 = arith.constant 3 : index
      %swap3A_112 = memref.load %arg5[%swap3A_111] : memref<4xf32, #tpu.memory_space<smem>>
      memref.store %select_n3A_110, %arg5[%swap3A_111] : memref<4xf32, #tpu.memory_space<smem>>
    } else {
    }
    return
  }
  func.func @transform_0(%arg0: i32, %arg1: i32, %arg2: memref<4xi32, #tpu.memory_space<smem>>) -> (i32, i32, i32) {
    %c0_i32 = arith.constant 0 : i32
    %c0_i32_0 = arith.constant 0 : i32
    return %arg0, %arg1, %c0_i32 : i32, i32, i32
  }
  func.func @transform_1(%arg0: i32, %arg1: i32, %arg2: memref<4xi32, #tpu.memory_space<smem>>) -> (i32, i32, i32) {
    %c0_i32 = arith.constant 0 : i32
    %c0_i32_0 = arith.constant 0 : i32
    return %arg0, %arg1, %c0_i32 : i32, i32, i32
  }
  func.func @transform_2(%arg0: i32, %arg1: i32, %arg2: memref<4xi32, #tpu.memory_space<smem>>) -> i32 {
    %c0_i32 = arith.constant 0 : i32
    %c0_i32_0 = arith.constant 0 : i32
    return %c0_i32 : i32
  }
}

</mosaic_0001>

<sc_bundles>
// kernel: kernel.4.cloned.1.call-start
scs
__scs_entry_jumppad:
0x0: {  	(pc) =	sbr.rel $0x88, $3  }
0x1: {  	(tag) =	ssettag $0x0;
	lr =	simm.s32 $0x1  }
0x2: {  	[smem:$0x3F9F] =	sst lr;
	_ =	strace $0xD0000000  }
0x3: {  	_ = 	snop  }
0x4: {  	_ = 	snop  }
0x5: {  	_ = 	snop  }
0x6: {  	_ = 	snop  }
0x7: {  	_ = 	snop  }
__scs_overlays_trampoline_lowered:
0x8: {  	[smem:$0x3FAE] =	sst s0  }
0x9: {  	[smem:$0x3FAF] =	sst s1  }
0xa: {  	[smem:$0x3FB0] =	sst s2  }
0xb: {  	[smem:$0x3FB1] =	sst s3  }
0xc: {  	[smem:$0x3FB2] =	sst s4  }
0xd: {  	[smem:$0x3FB3] =	sst s5  }
0xe: {  	[smem:$0x3FB4] =	sst s6  }
0xf: {  	[smem:$0x3FB5] =	sst s7  }
0x10: {  	[smem:$0x3FB6] =	sst s8  }
0x11: {  	[smem:$0x3FB7] =	sst s9;
	s0 =	simm.s32 @!p0 $0x0  }
0x12: {  	s1 =	sld [smem:$0x3F9D];
	s0 =	simm.s32 @p0 $0x1  }
0x13: {  	[smem:$0x3FB8] =	sst s0;
	s0 =	simm.s32 @!p1 $0x0  }
0x14: {  	s2 =	sld [smem:$0x3F9C];
	s0 =	simm.s32 @p1 $0x1  }
0x15: {  	[smem:$0x3FB9] =	sst s0;
	s0 =	simm.s32 @!p2 $0x0  }
0x16: {  	s3 =	sld [smem:$0x3FDB];
	s0 =	simm.s32 @p2 $0x1  }
0x17: {  	s4 =	simm.s32 $0x1BF5;
	[smem:$0x3FBB] =	sst s0  }
0x18: {  	s0 =	sld [smem:$0x3F9E];
	_ =	swait.ge [sflag:s4], $0x0  }
0x19: {  	s7 =	sld [smem:$0x3F9F]  }
0x1a: {  	s8 =	sadd.s32 $0xFFFFE003, lr  }
0x1b: {  	s9 =	sadd.s32 $0xFFFFFEF7, lr;
	s5 =	simm.s32 $0xFFFFFFFF;
	p2 =	slt.u32 s8, $0xFFFFF086  }
0x1c: {  	p1 =	slt.u32 s9, $0xF7A;
	s5 =	simm.s32 @!p2 $0x0  }
0x1d: {  	s5 =	simm.s32 @p1 $0x1;
	p0 =	seq.s32 s7, s2  }
0x1e: {  	s7 =	smul.u32 @!p0 $0xF7A, s2;
	p2 =	seq.s32 @!p0 s5, $0x0  }
0x1f: {  	s9 =	smul.u32 $0xF7A, s1;
	s8 =	simm.s32 @!p0 $0x1BF5;
	p2 =	por !p2, p0  }
0x20: {  	[sflag:s8] =	ssyncset.s32 @!p0 $0xFFFFF086;
	s6 =	sadd.s32 @!p0 s3, s7;
	s7 =	simm.s32 @!p0 $0x108  }
0x21: {  	s3 =	sadd.s32 s3, s9;
	s6 =	sadd.s32 @!p0 $0x88, s6;
	s7 =	simm.s32 @p2 $0x1082  }
0x22: {  	[simem:s7], [sflag:s8] =	dma.local @!p0 [hbm:s6], $0xF7A  }
0x23: {  	s9 =	sor.u32 $0xD0000000, s2;
	s6 =	simm.s32 $0x108;
	_ =	swait.ge @!p0 [sflag:s8], $0x0  }
0x24: {  	s3 =	sadd.s32 $0x88, s3;
	s6 =	simm.s32 @!p1 $0x1082;
	[sflag:s4] =	ssyncset.s32 $0xFFFFF086  }
0x25: {  	[simem:s6], [sflag:s4] =	dma.local [hbm:s3], $0xF7A  }
0x26: {  	[smem:$0x3F9F] =	sst s1;
	(tag) =	ssettag s2;
	_ =	strace s9  }
0x27: {  	s1 =	sld [smem:$0x3FAF]  }
0x28: {  	s2 =	sld [smem:$0x3FB0]  }
0x29: {  	s4 =	sld [smem:$0x3FB2]  }
0x2a: {  	p0 =	seq.s32 s5, $0x0;
	s5 =	sld [smem:$0x3FB3]  }
0x2b: {  	s6 =	sld [smem:$0x3FB4]  }
0x2c: {  	s7 =	sld [smem:$0x3FB5]  }
0x2d: {  	s3 =	simm.s32 $0x108;
	s8 =	sld [smem:$0x3FB6]  }
0x2e: {  	s3 =	simm.s32 @!p0 $0x1082;
	s9 =	sld [smem:$0x3FB7]  }
0x2f: {  	lr =	sadd.s32 s0, s3;
	s0 =	sld [smem:$0x3FAE]  }
0x30: {  	s3 =	sld [smem:$0x3FB1]  }
0x31: {  	[smem:$0x3FBA] =	sst s10  }
0x32: {  	s10 =	sld [smem:$0x3FB8];
	_ =	sdelay $0x3  }
0x33: {  	p0 =	seq.s32 s10, $0x1;
	s10 =	sld [smem:$0x3FBA];
	_ =	sdelay $0x3  }
0x34: {  	[smem:$0x3FBA] =	sst s10  }
0x35: {  	s10 =	sld [smem:$0x3FB9];
	_ =	sdelay $0x3  }
0x36: {  	p1 =	seq.s32 s10, $0x1;
	s10 =	sld [smem:$0x3FBA];
	_ =	sdelay $0x3  }
0x37: {  	[smem:$0x3FBA] =	sst s10  }
0x38: {  	s10 =	sld [smem:$0x3FBB]  }
0x39: {  	_ = 	snop;
	(pc) =	sbr.ind lr, $3  }
0x3a: {  	_ = 	snop  }
0x3b: {  	_ = 	snop  }
0x3c: {  	p2 =	seq.s32 s10, $0x1;
	s10 =	sld [smem:$0x3FBA]  }
0x3d: {  	_ =	shalt  }
0x3e: {  	_ =	shalt  }
0x3f: {  	_ =	shalt  }
0x40: {  	_ =	shalt  }
0x41: {  	_ =	shalt  }
0x42: {  	_ =	shalt  }
0x43: {  	_ =	shalt  }
0x44: {  	_ =	shalt  }
0x45: {  	_ =	shalt  }
0x46: {  	_ =	shalt  }
0x47: {  	_ =	shalt  }
0x48: {  	_ =	shalt  }
0x49: {  	_ =	shalt  }
0x4a: {  	_ =	shalt  }
0x4b: {  	_ =	shalt  }
0x4c: {  	_ =	shalt  }
0x4d: {  	_ =	shalt  }
0x4e: {  	_ =	shalt  }
0x4f: {  	_ =	shalt  }
0x50: {  	_ =	shalt  }
0x51: {  	_ =	shalt  }
0x52: {  	_ =	shalt  }
0x53: {  	_ =	shalt  }
0x54: {  	_ =	shalt  }
0x55: {  	_ =	shalt  }
0x56: {  	_ =	shalt  }
0x57: {  	_ =	shalt  }
0x58: {  	_ =	shalt  }
0x59: {  	_ =	shalt  }
0x5a: {  	_ =	shalt  }
0x5b: {  	_ =	shalt  }
0x5c: {  	_ =	shalt  }
0x5d: {  	_ =	shalt  }
0x5e: {  	_ =	shalt  }
0x5f: {  	_ =	shalt  }
0x60: {  	_ =	shalt  }
0x61: {  	_ =	shalt  }
0x62: {  	_ =	shalt  }
0x63: {  	_ =	shalt  }
0x64: {  	_ =	shalt  }
0x65: {  	_ =	shalt  }
0x66: {  	_ =	shalt  }
0x67: {  	_ =	shalt  }
0x68: {  	_ =	shalt  }
0x69: {  	_ =	shalt  }
0x6a: {  	_ =	shalt  }
0x6b: {  	_ =	shalt  }
0x6c: {  	_ =	shalt  }
0x6d: {  	_ =	shalt  }
0x6e: {  	_ =	shalt  }
0x6f: {  	_ =	shalt  }
0x70: {  	_ =	shalt  }
0x71: {  	_ =	shalt  }
0x72: {  	_ =	shalt  }
0x73: {  	_ =	shalt  }
0x74: {  	_ =	shalt  }
0x75: {  	_ =	shalt  }
0x76: {  	_ =	shalt  }
0x77: {  	_ =	shalt  }
0x78: {  	_ =	shalt  }
0x79: {  	_ =	shalt  }
0x7a: {  	_ =	shalt  }
0x7b: {  	_ =	shalt  }
0x7c: {  	_ =	shalt  }
0x7d: {  	_ =	shalt  }
0x7e: {  	_ =	shalt  }
0x7f: {  	_ =	shalt  }
0x80: {  	_ =	shalt  }
0x81: {  	_ =	shalt  }
0x82: {  	_ =	shalt  }
0x83: {  	_ =	shalt  }
0x84: {  	_ =	shalt  }
0x85: {  	_ =	shalt  }
0x86: {  	_ =	shalt  }
0x87: {  	_ =	shalt  }
.Lfunc_end0:
.L_simem_size_0:
called_computation.1_lowered:
.L_overlay_start_0:
0x88: {  	s2 =	sld [smem:$0x3FD9]  }
0x89: {  	s3 =	sld [smem:$0x3FFE];
	_ =	sdelay $0x1  }
0x8a: {  	s1 =	srdreg.scid  }
0x8b: {  	s0 =	sand.u32 $0x1, s1  }
0x8c: {  	s16 =	sshll.u32 s0, $0xA;
	s2 =	sadd.s32 s3, s2  }
0x8d: {  	s2 =	sadd.s32 s2, s16  }
0x8e: {  	[smem:$0x3FC6] =	sst s2  }
0x8f: {  	_ = 	snop  }
0x90: {  	(tm) =	ssettm $0x1  }
0x91: {  	s17 =	sld [smem:$0x3FFB];
	_ =	sdelay $0x3  }
0x92: {  	_ =	strace s17  }
0x93: {  	s2 =	sld [smem:$0x3FFC];
	_ =	sdelay $0x3  }
0x94: {  	_ =	strace s2  }
0x95: {  	s2 =	sld [smem:$0x3FFD];
	_ =	sdelay $0x3  }
0x96: {  	_ =	strace s2  }
0x97: {  	_ =	strace $0x8FFFFFFF  }
0x98: {  	s18 =	sld [smem:$0x3FDB];
	_ =	sdelay $0x1  }
0x99: {  	s19 =	simm.s32 $_scs_section_size  }
0x9a: {  	s4 =	simm.s32 $_size__tile_overlayer_lowered;
	s5 =	simm.s32 $_tile_overlayer_lowered  }
0x9b: {  	s22 =	simm.s32 $0x1BFF;
	s21 =	sshll.u32 s5, $0x1;
	s2 =	sadd.s32 s19, s18  }
0x9c: {  	s6 =	simm.s32 $0x0;
	s20 =	sshll.u32 s4, $0x1;
	s4 =	sadd.s32 s21, s2  }
0x9d: {  	[timem:s6], [sflag:s22] =	dma.local [hbm:s4], s20  }
0x9e: {  	_ =	swait.ge [sflag:s22], s20  }
0x9f: {  	s3 =	ssub.s32 $0x0, s20;
	[sflag:s22] =	ssyncset.done $0x0  }
0xa0: {  	[sflag:s22] =	ssyncadd.s32 s3;
	_ =	sdelay $0x1  }
0xa1: {  	s23 =	simm.s32 $0x1B8B  }
0xa2: {  	_ =	swait.ge [sflag:s23], $0x1  }
0xa3: {  	[sflag:s23] =	ssyncset.done $0x0  }
0xa4: {  	s25 =	simm.s32 $0x1B8E;
	s24 =	sld [smem:$0x3FFE];
	[sflag:s23] =	ssyncadd.s32 $0xFFFFFFFF  }
0xa5: {  	s26 =	simm.s32 $execute0_lowered;
	[smem:$0x3FD2] =	sst s25  }
0xa6: {  	s4 =	sshll.u32 s26, $0x1;
	_ =	strace $0x80000049;
	[dreg:$0x1] =	wrdreg $0xFFFFFFFF  }
0xa7: {  	s28 =	simm.s32 $_size_execute0_lowered;
	s2 =	sadd.s32 s2, s4;
	[dreg:$0x0] =	wrdreg $0x0  }
0xa8: {  	s4 =	sshll.u32 s28, $0x1;
	[dreg:$0x2] =	wrdreg s2  }
0xa9: {  	[dreg:$0x3] =	wrdreg s4  }
0xaa: {  	[dreg:$0x4] =	wrdreg $0xC0  }
0xab: {  	_ =	task [dreg:s6], $0x5FFFF  }
0xac: {  	[dreg:$0x1] =	wrdreg $0xFFFFFFFF  }
0xad: {  	[dreg:$0x0] =	wrdreg $0x60  }
0xae: {  	[dreg:$0x2] =	wrdreg s24  }
0xaf: {  	[dreg:$0x3] =	wrdreg $0x9  }
0xb0: {  	_ =	task.clear_ibuf [dreg:s6], $0x4FFFF;
	_ =	strace $0x90000049  }
0xb1: {  	s29 =	simm.s32 $0x9;
	_ =	strace $0x8000004B  }
0xb2: {  	_ =	swait.ge [sflag:s29], $0x1  }
0xb3: {  	[sflag:s29] =	ssyncadd.s32 $0xFFFFFFFF  }
0xb4: {  	_ =	strace $0x9000004B  }
0xb5: {  	_ =	sfence  }
0xb6: {  	s30 =	sld [smem:$0x0];
	_ =	sdelay $0x2  }
0xb7: {  	s31 =	sshll.u32 s1, $0xD;
	s1 =	sshrl.u32 s1, $0x2  }
0xb8: {  	s3 =	sand.u32 $0x4000, s31;
	s1 =	sadd.s32 s1, s30  }
0xb9: {  	s0 =	sor.u32 s3, s0;
	s1 =	sshll.u32 s1, $0x11  }
0xba: {  	s0 =	sor.u32 s1, s0  }
0xbb: {  	s0 =	sadd.s32 $0x8F2B, s0  }
0xbc: {  	[sflag:s0] =	ssyncadd.remote.s32 $0x1  }
0xbd: {  	_ =	sfence.sel $0xFFFF  }
0xbe: {  	[dreg:$0x0] =	wrdreg $0xFFFFFFFF;
	(pc) =	sbr.abs _section_cstart, $3  }
0xbf: {  	[dreg:$0x1] =	wrdreg $0xFFFFFFFF  }
0xc0: {  	_ =	task.clear_ibuf [dreg:s6], $0x2FFFF;
	_ =	strace $0x9FFFFFFF  }
0xc1: {  	(tm) =	ssettm $0x7FFFFFFF  }
tec
execute0_lowered:
.L_overlay_start_1:
0x0: {  	(tag) =	ssettag $0x1  }
0x1: {  	s4 =	rddreg [dreg:$0x0]  }
0x2: {  	s0 =	rddreg [dreg:$0x1];
	_ =	strace $0x8000004A  }
0x3: {  	s5 =	srdreg.scid;
	s1 =	stileid.u32;
	s9 =	simm.s32 $0x180  }
0x4: {  	s10 =	simm.s32 $0x100;
	s11 =	simm.s32 $0x200;
	s12 =	simm.s32 $0x280  }
0x5: {  	s14 =	simm.s32 $0x380;
	s15 =	simm.s32 $0x400;
	s17 =	simm.s32 $0x500  }
0x6: {  	s18 =	simm.s32 $0x1;
	s2 =	sadd.s32 $0x801200, s4;
	s3 =	sadd.s32 $0x801400, s4  }
0x7: {  	s5 =	sand.u32 $0x1, s5;
	s6 =	sshll.u32 s1, $0x1;
	s4 =	sadd.s32 $0x1200, s4  }
0x8: {  	v0 =	vlaneseq.u32;
	s13 =	sshrl.u32 s1, $0x2;
	s7 =	ssub.s32 $0x2, s5;
	s6 =	sand.u32 $0x6, s6  }
0x9: {  	v1 =	vmul.u32 $0x800, v0;
	s31 =	sshll.u32 s13, $0x18;
	v0 =	vmov s13;
	s13 =	simm.s32 $0x300;
	s5 =	sor.u32 s5, s6  }
0xa: {  	s8 =	sshrl.u32 s7, $0x1;
	s6 =	simm.s32 $0x0;
	s5 =	sshll.u32 s5, $0x15  }
0xb: {  	s30 =	ssub.s32 s7, s8;
	s7 =	simm.s32 $0x2;
	s16 =	sor.u32 s31, s5  }
0xc: {  	v0 =	vbroadcast v0, $0x0;
	s8 =	simm.s32 $0x80;
	s5 =	smax.u32 s30, $0x1;
	v1 =	vor.u32 s16, v1;
	s16 =	simm.s32 $0x480  }
.LBB2_1:
0xd: {  	[tilespmem:s6], [sflag:$0x2] =	stream.linear.gather [hbm4b:s2+s6], $0x80, $0x38;
	[tilespmem:$0x580] =	vst v63  }
0xe: {  	_ =	swait.ge [sflag:s7], $0x80  }
0xf: {  	[sflag:s7] =	ssyncset.done $0x0  }
0x10: {  	[sflag:s7] =	ssyncadd.s32 $0xFFFFFF80  }
0x11: {  	[tilespmem:s8], [sflag:$0x2] =	stream.linear.gather [hbm4b:s3+s6], $0x80, $0x38;
	[tilespmem:$0x580] =	vst v63  }
0x12: {  	_ =	swait.ge [sflag:s7], $0x80  }
0x13: {  	[sflag:s7] =	ssyncset.done $0x0  }
0x14: {  	[sflag:s7] =	ssyncadd.s32 $0xFFFFFF80  }
0x15: {  	v2 =	vld [tilespmem:$0x80];
	_ =	sdelay $0x4  }
0x16: {  	v2 =	vperm.xlane v2, v0;
	_ =	sdelay $0x1  }
0x17: {  	v3 =	vld [tilespmem:$0x0];
	[tilespmem:$0x100] =	vst v2  }
0x18: {  	[tilespmem:$0x110] =	vst v2  }
0x19: {  	[tilespmem:$0x120] =	vst v2  }
0x1a: {  	[tilespmem:$0x130] =	vst v2  }
0x1b: {  	[tilespmem:$0x140] =	vst v2  }
0x1c: {  	v3 =	vperm.xlane v3, v0;
	[tilespmem:$0x150] =	vst v2  }
0x1d: {  	[tilespmem:$0x160] =	vst v2  }
0x1e: {  	v3 =	vadd.s32 v1, v3;
	[tilespmem:$0x170] =	vst v2  }
0x1f: {  	[tilespmem:$0x180] =	vst v3;
	v2 =	vadd.s32 $0x8000, v3  }
0x20: {  	[tilespmem:$0x190] =	vst v2;
	v2 =	vadd.s32 $0x10000, v3  }
0x21: {  	[tilespmem:$0x1A0] =	vst v2;
	v2 =	vadd.s32 $0x18000, v3  }
0x22: {  	[tilespmem:$0x1B0] =	vst v2;
	v2 =	vadd.s32 $0x20000, v3  }
0x23: {  	[tilespmem:$0x1C0] =	vst v2;
	v2 =	vadd.s32 $0x28000, v3  }
0x24: {  	[tilespmem:$0x1D0] =	vst v2;
	v2 =	vadd.s32 $0x30000, v3  }
0x25: {  	[tilespmem:$0x1E0] =	vst v2;
	v2 =	vadd.s32 $0x38000, v3  }
0x26: {  	[tilespmem:$0x1F0] =	vst v2;
	v2 =	vadd.s32 $0x40000, v3  }
0x27: {  	[tilespmem:$0x200] =	vst v2;
	v2 =	vadd.s32 $0x48000, v3  }
0x28: {  	[tilespmem:$0x210] =	vst v2;
	v2 =	vadd.s32 $0x50000, v3  }
0x29: {  	[tilespmem:$0x220] =	vst v2;
	v2 =	vadd.s32 $0x58000, v3  }
0x2a: {  	[tilespmem:$0x230] =	vst v2;
	v2 =	vadd.s32 $0x60000, v3  }
0x2b: {  	[tilespmem:$0x240] =	vst v2;
	v2 =	vadd.s32 $0x68000, v3  }
0x2c: {  	[tilespmem:$0x250] =	vst v2;
	v2 =	vadd.s32 $0x70000, v3  }
0x2d: {  	[tilespmem:$0x260] =	vst v2;
	v2 =	vadd.s32 $0x78000, v3  }
0x2e: {  	[tilespmem:$0x270] =	vst v2;
	v2 =	vadd.s32 $0x80000, v3  }
0x2f: {  	[tilespmem:$0x280] =	vst v2;
	v2 =	vadd.s32 $0x88000, v3  }
0x30: {  	[tilespmem:$0x290] =	vst v2;
	v2 =	vadd.s32 $0x90000, v3  }
0x31: {  	[tilespmem:$0x2A0] =	vst v2;
	v2 =	vadd.s32 $0x98000, v3  }
0x32: {  	[tilespmem:$0x2B0] =	vst v2;
	v2 =	vadd.s32 $0xA0000, v3  }
0x33: {  	[tilespmem:$0x2C0] =	vst v2;
	v2 =	vadd.s32 $0xA8000, v3  }
0x34: {  	[tilespmem:$0x2D0] =	vst v2;
	v2 =	vadd.s32 $0xB0000, v3  }
0x35: {  	[tilespmem:$0x2E0] =	vst v2;
	v2 =	vadd.s32 $0xB8000, v3  }
0x36: {  	[tilespmem:$0x2F0] =	vst v2;
	v2 =	vadd.s32 $0xC0000, v3  }
0x37: {  	[tilespmem:$0x300] =	vst v2;
	v2 =	vadd.s32 $0xC8000, v3  }
0x38: {  	[tilespmem:$0x310] =	vst v2;
	v2 =	vadd.s32 $0xD0000, v3  }
0x39: {  	[tilespmem:$0x320] =	vst v2;
	v2 =	vadd.s32 $0xD8000, v3  }
0x3a: {  	[tilespmem:$0x330] =	vst v2;
	v2 =	vadd.s32 $0xE0000, v3  }
0x3b: {  	[tilespmem:$0x340] =	vst v2;
	v2 =	vadd.s32 $0xE8000, v3  }
0x3c: {  	[tilespmem:$0x350] =	vst v2;
	v2 =	vadd.s32 $0xF0000, v3  }
0x3d: {  	[tilespmem:$0x360] =	vst v2;
	v2 =	vadd.s32 $0xF8000, v3  }
0x3e: {  	[tilespmem:$0x370] =	vst v2;
	v2 =	vadd.s32 $0x100000, v3  }
0x3f: {  	[tilespmem:$0x380] =	vst v2;
	v2 =	vadd.s32 $0x108000, v3  }
0x40: {  	[tilespmem:$0x390] =	vst v2;
	v2 =	vadd.s32 $0x110000, v3  }
0x41: {  	[tilespmem:$0x3A0] =	vst v2;
	v2 =	vadd.s32 $0x118000, v3  }
0x42: {  	[tilespmem:$0x3B0] =	vst v2;
	v2 =	vadd.s32 $0x120000, v3  }
0x43: {  	[tilespmem:$0x3C0] =	vst v2;
	v2 =	vadd.s32 $0x128000, v3  }
0x44: {  	[tilespmem:$0x3D0] =	vst v2;
	v2 =	vadd.s32 $0x130000, v3  }
0x45: {  	[tilespmem:$0x3E0] =	vst v2;
	v2 =	vadd.s32 $0x138000, v3  }
0x46: {  	[tilespmem:$0x3F0] =	vst v2;
	v2 =	vadd.s32 $0x140000, v3  }
0x47: {  	[tilespmem:$0x400] =	vst v2;
	v2 =	vadd.s32 $0x148000, v3  }
0x48: {  	[tilespmem:$0x410] =	vst v2;
	v2 =	vadd.s32 $0x150000, v3  }
0x49: {  	[tilespmem:$0x420] =	vst v2;
	v2 =	vadd.s32 $0x158000, v3  }
0x4a: {  	[tilespmem:$0x430] =	vst v2;
	v2 =	vadd.s32 $0x160000, v3  }
0x4b: {  	[tilespmem:$0x440] =	vst v2;
	v2 =	vadd.s32 $0x168000, v3  }
0x4c: {  	[tilespmem:$0x450] =	vst v2;
	v2 =	vadd.s32 $0x170000, v3  }
0x4d: {  	[tilespmem:$0x460] =	vst v2;
	v2 =	vadd.s32 $0x178000, v3  }
0x4e: {  	[tilespmem:$0x470] =	vst v2;
	v2 =	vadd.s32 $0x180000, v3  }
0x4f: {  	[tilespmem:$0x480] =	vst v2;
	v2 =	vadd.s32 $0x188000, v3  }
0x50: {  	[tilespmem:$0x490] =	vst v2;
	v2 =	vadd.s32 $0x190000, v3  }
0x51: {  	[tilespmem:$0x4A0] =	vst v2;
	v2 =	vadd.s32 $0x198000, v3  }
0x52: {  	[tilespmem:$0x4B0] =	vst v2;
	v2 =	vadd.s32 $0x1A0000, v3  }
0x53: {  	[tilespmem:$0x4C0] =	vst v2;
	v2 =	vadd.s32 $0x1A8000, v3  }
0x54: {  	[tilespmem:$0x4D0] =	vst v2;
	v2 =	vadd.s32 $0x1B0000, v3  }
0x55: {  	[tilespmem:$0x4E0] =	vst v2;
	v2 =	vadd.s32 $0x1B8000, v3  }
0x56: {  	[tilespmem:$0x4F0] =	vst v2;
	v2 =	vadd.s32 $0x1C0000, v3  }
0x57: {  	[tilespmem:$0x500] =	vst v2;
	v2 =	vadd.s32 $0x1C8000, v3  }
0x58: {  	[tilespmem:$0x510] =	vst v2;
	v2 =	vadd.s32 $0x1D0000, v3  }
0x59: {  	[tilespmem:$0x520] =	vst v2;
	v2 =	vadd.s32 $0x1D8000, v3  }
0x5a: {  	[tilespmem:$0x530] =	vst v2;
	v2 =	vadd.s32 $0x1E0000, v3  }
0x5b: {  	[tilespmem:$0x540] =	vst v2;
	v2 =	vadd.s32 $0x1E8000, v3  }
0x5c: {  	[tilespmem:$0x550] =	vst v2;
	v2 =	vadd.s32 $0x1F0000, v3  }
0x5d: {  	[tilespmem:$0x560] =	vst v2;
	v2 =	vadd.s32 $0x1F8000, v3  }
0x5e: {  	[tilespmem:$0x570] =	vst v2  }
0x5f: {  	[hbm4b:s4+s8] =	stream.indirect.scatter [tilespmem:s10], [sflag:$0x1], $0x1, s9, s8, $0xb8;
	[tilespmem:$0x580] =	vst v63  }
0x60: {  	_ = 	snop  }
0x61: {  	[hbm4b:s4+s8] =	stream.indirect.scatter [tilespmem:s10], [sflag:$0x1], $0x1, s11, s8, $0xb8;
	[tilespmem:$0x580] =	vst v63  }
0x62: {  	_ = 	snop  }
0x63: {  	[hbm4b:s4+s8] =	stream.indirect.scatter [tilespmem:s10], [sflag:$0x1], $0x1, s12, s8, $0xb8;
	[tilespmem:$0x580] =	vst v63  }
0x64: {  	_ = 	snop  }
0x65: {  	[hbm4b:s4+s8] =	stream.indirect.scatter [tilespmem:s10], [sflag:$0x1], $0x1, s13, s8, $0xb8;
	[tilespmem:$0x580] =	vst v63  }
0x66: {  	_ = 	snop  }
0x67: {  	[hbm4b:s4+s8] =	stream.indirect.scatter [tilespmem:s10], [sflag:$0x1], $0x1, s14, s8, $0xb8;
	[tilespmem:$0x580] =	vst v63  }
0x68: {  	_ = 	snop  }
0x69: {  	[hbm4b:s4+s8] =	stream.indirect.scatter [tilespmem:s10], [sflag:$0x1], $0x1, s15, s8, $0xb8;
	[tilespmem:$0x580] =	vst v63  }
0x6a: {  	_ = 	snop  }
0x6b: {  	[hbm4b:s4+s8] =	stream.indirect.scatter [tilespmem:s10], [sflag:$0x1], $0x1, s16, s8, $0xb8;
	[tilespmem:$0x580] =	vst v63  }
0x6c: {  	_ = 	snop  }
0x6d: {  	[hbm4b:s4+s8] =	stream.indirect.scatter [tilespmem:s10], [sflag:$0x1], $0x1, s17, s8, $0xb8;
	[tilespmem:$0x580] =	vst v63  }
0x6e: {  	_ =	swait.ge [sflag:s18], $0x80  }
0x6f: {  	[sflag:s18] =	ssyncset.done $0x0  }
0x70: {  	[sflag:s18] =	ssyncadd.s32 $0xFFFFFF80  }
0x71: {  	_ =	swait.ge [sflag:s18], $0x80  }
0x72: {  	[sflag:s18] =	ssyncset.done $0x0  }
0x73: {  	[sflag:s18] =	ssyncadd.s32 $0xFFFFFF80  }
0x74: {  	_ =	swait.ge [sflag:s18], $0x80  }
0x75: {  	[sflag:s18] =	ssyncset.done $0x0  }
0x76: {  	[sflag:s18] =	ssyncadd.s32 $0xFFFFFF80  }
0x77: {  	_ =	swait.ge [sflag:s18], $0x80  }
0x78: {  	[sflag:s18] =	ssyncset.done $0x0  }
0x79: {  	[sflag:s18] =	ssyncadd.s32 $0xFFFFFF80  }
0x7a: {  	_ =	swait.ge [sflag:s18], $0x80  }
0x7b: {  	[sflag:s18] =	ssyncset.done $0x0  }
0x7c: {  	[sflag:s18] =	ssyncadd.s32 $0xFFFFFF80  }
0x7d: {  	_ =	swait.ge [sflag:s18], $0x80  }
0x7e: {  	[sflag:s18] =	ssyncset.done $0x0  }
0x7f: {  	[sflag:s18] =	ssyncadd.s32 $0xFFFFFF80  }
0x80: {  	p0 =	sne.s32 s5, $0x1;
	_ =	swait.ge [sflag:s18], $0x80  }
.Ltmp0:
0x81: {  	[sflag:s18] =	ssyncset.done $0x0;
	(pc) =	sbr.rel @p0 .LBB2_1-.Ltmp0, $4  }
0x82: {  	[sflag:s18] =	ssyncadd.s32 $0xFFFFFF80  }
0x83: {  	_ =	swait.ge [sflag:s18], $0x80  }
0x84: {  	[sflag:s18] =	ssyncset.done $0x0  }
0x85: {  	s5 =	sadd.s32 $0xFFFFFFFF, s5;
	[sflag:s18] =	ssyncadd.s32 $0xFFFFFF80  }
0x86: {  	_ =	sfence.sel $0x180000  }
0x87: {  	[bflag:$0x0] =	sbarrier.arrive $0xFFFF  }
0x88: {  	p0 =	sne.s32 s1, $0x0;
	_ =	strace $0x9000004A  }
0x89: {  	s0 =	sadd.s32 @!p0 $0x100000, s0;
	[bflag:$0x2] =	sbarrier.arrive $0xFFFF  }
0x8a: {  	[sflag:s0] =	ssyncadd.tile.s32 @!p0 $0x1;
	_ =	shalt  }
.Lfunc_end2:
_tile_overlayer_lowered:
.L_overlay_start_2:
0x8b: {  	(tag) =	ssettag $0x2  }
0x8c: {  	s0 =	rddreg [dreg:$0x0];
	s2 =	stileid.u32  }
0x8d: {  	s1 =	rddreg [dreg:$0x1];
	p0 =	sne.s32 s2, $0x0  }
0x8e: {  	s3 =	rddreg [dreg:$0x2];
	[bflag:$0x3] =	sbarrier.arrive $0xFFFF;
	s2 =	simm.s32 @!p0 $0x1C02  }
0x8f: {  	[timem:s3], [sflag:s2] =	dma.local @!p0 [hbm:s0], s1  }
0x90: {  	s0 =	simm.s32 @!p0 $0x2  }
0x91: {  	_ =	swait.ge @!p0 [sflag:s0], s1  }
0x92: {  	s1 =	ssub.s32 @!p0 $0x0, s1;
	[sflag:s0] =	ssyncset.done @!p0 $0x0  }
0x93: {  	[sflag:s0] =	ssyncadd.s32 @!p0 s1  }
0x94: {  	[bflag:$0x3] =	sbarrier.arrive $0xFFFF  }
0x95: {  	_ =	shalt  }

// kernel: sparse-core-data-format-call.cloned.1.call-start
scs
called_computation_lowered:
.L_overlay_start_0:
0x0: {  	s2 =	sld [smem:$0x3FD9]  }
0x1: {  	s3 =	sld [smem:$0x3FFE];
	_ =	sdelay $0x1  }
0x2: {  	s1 =	srdreg.scid  }
0x3: {  	s0 =	sand.u32 $0x1, s1  }
0x4: {  	s18 =	sshll.u32 s0, $0xA;
	s2 =	sadd.s32 s3, s2  }
0x5: {  	s2 =	sadd.s32 s2, s18  }
0x6: {  	[smem:$0x3FC6] =	sst s2  }
0x7: {  	_ = 	snop  }
0x8: {  	s2 =	sld [smem:$0x3FD0];
	(tm) =	ssettm $0x1  }
0x9: {  	s19 =	sld [smem:$0x3FFB];
	_ =	sdelay $0x3  }
0xa: {  	_ =	strace s19  }
0xb: {  	s3 =	sld [smem:$0x3FFC];
	_ =	sdelay $0x3  }
0xc: {  	_ =	strace s3  }
0xd: {  	s3 =	sld [smem:$0x3FFD];
	_ =	sdelay $0x3  }
0xe: {  	_ =	strace s3  }
0xf: {  	_ =	strace $0x8FFFFFFF  }
0x10: {  	s20 =	sld [smem:$0x3FDB];
	_ =	sdelay $0x1  }
0x11: {  	s4 =	simm.s32 $_scs_section_size  }
0x12: {  	s5 =	simm.s32 $_size__tile_overlayer_lowered;
	s6 =	simm.s32 $_tile_overlayer_lowered  }
0x13: {  	s23 =	simm.s32 $0x1BFF;
	s22 =	sshll.u32 s6, $0x1;
	s3 =	sadd.s32 s4, s20  }
0x14: {  	s7 =	simm.s32 $0x0;
	s21 =	sshll.u32 s5, $0x1;
	s5 =	sadd.s32 s22, s3  }
0x15: {  	[timem:s7], [sflag:s23] =	dma.local [hbm:s5], s21  }
0x16: {  	_ =	swait.ge [sflag:s23], s21  }
0x17: {  	s4 =	ssub.s32 $0x0, s21;
	[sflag:s23] =	ssyncset.done $0x0  }
0x18: {  	[sflag:s23] =	ssyncadd.s32 s4;
	_ =	sdelay $0x1  }
0x19: {  	s24 =	simm.s32 $0x1B8B  }
0x1a: {  	_ =	swait.ge [sflag:s24], $0x1  }
0x1b: {  	[sflag:s24] =	ssyncset.done $0x0  }
0x1c: {  	s26 =	simm.s32 $0x1B8E;
	s25 =	sld [smem:$0x3FFE];
	[sflag:s24] =	ssyncadd.s32 $0xFFFFFFFF  }
0x1d: {  	s27 =	simm.s32 $execute0_lowered;
	[smem:$0x3FD2] =	sst s26  }
0x1e: {  	s5 =	sshll.u32 s27, $0x1;
	_ =	strace $0x80000046;
	[dreg:$0x1] =	wrdreg $0xFFFFFFFF  }
0x1f: {  	s28 =	simm.s32 $_size_execute0_lowered;
	s3 =	sadd.s32 s3, s5;
	[dreg:$0x0] =	wrdreg $0x0  }
0x20: {  	s5 =	sshll.u32 s28, $0x1;
	[dreg:$0x2] =	wrdreg s3  }
0x21: {  	[dreg:$0x3] =	wrdreg s5  }
0x22: {  	[dreg:$0x4] =	wrdreg $0xC0  }
0x23: {  	_ =	task [dreg:s7], $0x5FFFF  }
0x24: {  	[dreg:$0x1] =	wrdreg $0xFFFFFFFF  }
0x25: {  	[dreg:$0x0] =	wrdreg $0x60  }
0x26: {  	[dreg:$0x2] =	wrdreg s2  }
0x27: {  	[dreg:$0x3] =	wrdreg s25  }
0x28: {  	[dreg:$0x4] =	wrdreg $0x9  }
0x29: {  	_ =	task.clear_ibuf [dreg:s7], $0x5FFFF;
	_ =	strace $0x90000046  }
0x2a: {  	s29 =	simm.s32 $0x9;
	_ =	strace $0x80000048  }
0x2b: {  	_ =	swait.ge [sflag:s29], $0x1  }
0x2c: {  	[sflag:s29] =	ssyncadd.s32 $0xFFFFFFFF  }
0x2d: {  	_ =	strace $0x90000048  }
0x2e: {  	_ =	sfence  }
0x2f: {  	s30 =	sld [smem:$0x0];
	_ =	sdelay $0x2  }
0x30: {  	s31 =	sshll.u32 s1, $0xD;
	s1 =	sshrl.u32 s1, $0x2  }
0x31: {  	s3 =	sand.u32 $0x4000, s31;
	s1 =	sadd.s32 s1, s30  }
0x32: {  	s0 =	sor.u32 s3, s0;
	s1 =	sshll.u32 s1, $0x11  }
0x33: {  	s0 =	sor.u32 s1, s0  }
0x34: {  	s0 =	sadd.s32 $0x8F2B, s0  }
0x35: {  	[sflag:s0] =	ssyncadd.remote.s32 $0x1  }
0x36: {  	_ =	sfence.sel $0xFFFF  }
0x37: {  	[dreg:$0x0] =	wrdreg $0xFFFFFFFF;
	(pc) =	sbr.abs _section_cstart, $3  }
0x38: {  	[dreg:$0x1] =	wrdreg $0xFFFFFFFF  }
0x39: {  	_ =	task.clear_ibuf [dreg:s7], $0x2FFFF;
	_ =	strace $0x9FFFFFFF  }
0x3a: {  	(tm) =	ssettm $0x7FFFFFFF  }
0x3b: {  	_ =	shalt  }
tec
execute0_lowered:
.L_overlay_start_1:
0x0: {  	(tag) =	ssettag $0x1  }
0x1: {  	s2 =	rddreg [dreg:$0x0]  }
0x2: {  	s1 =	rddreg [dreg:$0x1]  }
0x3: {  	s0 =	rddreg [dreg:$0x2];
	_ =	strace $0x80000047;
	s4 =	srdreg.scid  }
.Ltmp0:
0x4: {  	s6 =	simm.s32 $0x2;
	p0 =	por $0x0, $0x0;
	(pc) =	sbr.rel .LBB1_1-.Ltmp0, $4  }
0x5: {  	s9 =	simm.s32 $0x0;
	s3 =	sadd.s32 $0x1200, s1;
	s5 =	sshll.u32 s4, $0x4  }
0x6: {  	s1 =	stileid.u32;
	s4 =	simm.s32 $0x1;
	s5 =	sand.u32 $0x10, s5  }
0x7: {  	s7 =	simm.s32 $0x0;
	[sflag:s4] =	ssyncpa.u1 $0x0;
	s5 =	sor.u32 s1, s5  }
0x8: {  	[sflag:s6] =	ssyncpa.u1 $0x0;
	s6 =	simm.s32 $0x0;
	s8 =	smov.u32 s5  }
.LBB1_7:
0x9: {  	s11 =	sadd.s32 $0x20, s8  }
0xa: {  	p1 =	slt.u32 s7, $0x2;
	s7 =	sadd.s32 $0x1, s7;
	p2 =	sgt.s32 s11, $0xFFF  }
0xb: {  	s11 =	smov.u32 @p2 s5;
	p2 =	sne.s32 s7, $0x82  }
.Ltmp1:
0xc: {  	_ = 	snop;
	(pc) =	sbr.rel @!p2 .LBB1_8-.Ltmp1, $4  }
0xd: {  	s10 =	simm.s32 @!p1 $0x2  }
0xe: {  	_ =	swait.ge @!p1 [sflag:s10], $0x4000  }
0xf: {  	s9 =	smov.u32 s8;
	[sflag:s10] =	ssyncset.done @!p1 $0x0  }
0x10: {  	p0 =	por !p0, !p0;
	s8 =	smov.u32 s11;
	[sflag:s10] =	ssyncadd.s32 @!p1 $0xFFFFC000  }
.LBB1_1:
0x11: {  	p1 =	sgt.u32 s7, $0x7F  }
0x12: {  	s10 =	sxor.u32 @!p1 $0xFFFFFFFF, s7  }
0x13: {  	s11 =	sshll.u32 @!p1 s8, $0xB;
	s10 =	sshll.u32 @!p1 s10, $0xE  }
0x14: {  	s12 =	simm.s32 @!p1 $0x0;
	s11 =	sadd.s32 @!p1 s2, s11;
	s10 =	sand.u32 @!p1 $0x4000, s10  }
0x15: {  	[tilespmem:s10], [sflag:$0x1] =	stream.linear.gather @!p1 [hbm4b:s11+s12], $0x4000, $0x38;
	[tilespmem:$0x10000] =	vst v63  }
0x16: {  	p1 =	seq.s32 s7, $0x0  }
0x17: {  	p2 =	seq.s32 @!p1 s7, $0x81  }
0x18: {  	p1 =	por p1, p2  }
.Ltmp2:
0x19: {  	_ = 	snop;
	(pc) =	sbr.rel @p1 .LBB1_7-.Ltmp2, $1  }
0x1a: {  	_ =	sdelay $0x3  }
0x1b: {  	s10 =	simm.s32 $0x1;
	_ =	swait.ge [sflag:s4], $0x4000;
	s12 =	sshll.u32 s7, $0xE  }
0x1c: {  	s13 =	simm.s32 $0x0;
	s10 =	simm.s32 @!p0 $0x0;
	[sflag:s4] =	ssyncset.done $0x0  }
0x1d: {  	s12 =	sand.u32 $0x4000, s12;
	s11 =	sshll.u32 s10, $0xE;
	[sflag:s4] =	ssyncadd.s32 $0xFFFFC000  }
0x1e: {  	s12 =	sor.u32 $0x8000, s12;
	s10 =	sor.u32 $0x8040, s11;
	s11 =	sor.u32 $0x40, s11  }
.LBB1_3:
0x1f: {  	v0 =	vmov s11;
	_ =	sdelay $0x3  }
0x20: {  	s15 =	simm.s32 $0x0  }
0x21: {  	v6 =	vld.idx.msk [tilespmem:v0+s15+$0x30 ss:$0x1], $0xffff  }
0x22: {  	v7 =	vld.idx.msk [tilespmem:v0+s15+$0xFFFFFFC0 ss:$0x1], $0xffff  }
0x23: {  	v5 =	vld.idx.msk [tilespmem:v0+s15+$0xFFFFFFD0 ss:$0x1], $0xffff  }
0x24: {  	v4 =	vld.idx.msk [tilespmem:v0+s15+$0xFFFFFFE0 ss:$0x1], $0xffff  }
0x25: {  	v3 =	vld.idx.msk [tilespmem:v0+s15+$0xFFFFFFF0 ss:$0x1], $0xffff  }
0x26: {  	v1 =	vld.idx.msk [tilespmem:v0+s15+$0x0 ss:$0x1], $0xffff  }
0x27: {  	v2 =	vld.idx.msk [tilespmem:v0+s15+$0x10 ss:$0x1], $0xffff;
	[tilespmem:s10+$0x30] =	vst v6  }
0x28: {  	s14 =	simm.s32 $0x80;
	s16 =	simm.s32 $0x400;
	[tilespmem:s10+$0xFFFFFFC0] =	vst v7;
	v6 =	vld.idx.msk [tilespmem:v0+s15+$0x20 ss:$0x1], $0xffff;
	s15 =	smov.u32 s10  }
.LBB1_4:
0x29: {  	p1 =	sne.s32 s16, $0xE00;
	v7 =	vld.idx.msk [tilespmem:v0+s14+$0x30 ss:$0x1], $0xffff;
	[tilespmem:s15+$0xFFFFFFD0] =	vst v5  }
0x2a: {  	v8 =	vld.idx.msk [tilespmem:v0+s14+$0xFFFFFFC0 ss:$0x1], $0xffff;
	[tilespmem:s15+$0xFFFFFFE0] =	vst v4  }
0x2b: {  	v5 =	vld.idx.msk [tilespmem:v0+s14+$0xFFFFFFD0 ss:$0x1], $0xffff;
	[tilespmem:s15+$0xFFFFFFF0] =	vst v3  }
.Ltmp3:
0x2c: {  	v4 =	vld.idx.msk [tilespmem:v0+s14+$0xFFFFFFE0 ss:$0x1], $0xffff;
	[tilespmem:s15+$0x0] =	vst v1;
	(pc) =	sbr.rel @p1 .LBB1_4-.Ltmp3, $4  }
0x2d: {  	v3 =	vld.idx.msk [tilespmem:v0+s14+$0xFFFFFFF0 ss:$0x1], $0xffff;
	[tilespmem:s15+$0x10] =	vst v2  }
0x2e: {  	v1 =	vld.idx.msk [tilespmem:v0+s14+$0x0 ss:$0x1], $0xffff;
	[tilespmem:s15+$0x20] =	vst v6;
	s15 =	sadd.s32 $0x800, s15  }
0x2f: {  	v2 =	vld.idx.msk [tilespmem:v0+s14+$0x10 ss:$0x1], $0xffff;
	[tilespmem:s15+$0x30] =	vst v7  }
0x30: {  	[tilespmem:s15+$0xFFFFFFC0] =	vst v8;
	v6 =	vld.idx.msk [tilespmem:v0+s14+$0x20 ss:$0x1], $0xffff;
	s14 =	sshra.s32 s16, $0x2;
	s16 =	sadd.s32 $0x200, s16  }
0x31: {  	_ =	sdelay $0x2  }
0x32: {  	[tilespmem:s15+$0xFFFFFFD0] =	vst v5  }
0x33: {  	v56 =	vld.idx.msk [tilespmem:v0+s14+$0x30 ss:$0x1], $0xffff;
	[tilespmem:s15+$0xFFFFFFE0] =	vst v4  }
0x34: {  	v57 =	vld.idx.msk [tilespmem:v0+s14+$0xFFFFFFC0 ss:$0x1], $0xffff;
	[tilespmem:s15+$0xFFFFFFF0] =	vst v3  }
0x35: {  	v58 =	vld.idx.msk [tilespmem:v0+s14+$0xFFFFFFD0 ss:$0x1], $0xffff;
	[tilespmem:s15+$0x0] =	vst v1  }
0x36: {  	v59 =	vld.idx.msk [tilespmem:v0+s14+$0xFFFFFFE0 ss:$0x1], $0xffff;
	[tilespmem:s15+$0x10] =	vst v2  }
0x37: {  	v60 =	vld.idx.msk [tilespmem:v0+s14+$0xFFFFFFF0 ss:$0x1], $0xffff;
	s31 =	sadd.s32 $0x800, s15;
	[tilespmem:s15+$0x20] =	vst v6  }
0x38: {  	v61 =	vld.idx.msk [tilespmem:v0+s14+$0x0 ss:$0x1], $0xffff;
	[tilespmem:s31+$0x30] =	vst v56  }
0x39: {  	v62 =	vld.idx.msk [tilespmem:v0+s14+$0x10 ss:$0x1], $0xffff;
	s13 =	sadd.s32 $0x1, s13;
	[tilespmem:s31+$0xFFFFFFC0] =	vst v57  }
0x3a: {  	v63 =	vld.idx.msk [tilespmem:v0+s14+$0x20 ss:$0x1], $0xffff;
	p1 =	sne.s32 s13, $0x10;
	[tilespmem:s31+$0xFFFFFFD0] =	vst v58  }
.Ltmp4:
0x3b: {  	[tilespmem:s31+$0xFFFFFFE0] =	vst v59;
	(pc) =	sbr.rel @p1 .LBB1_3-.Ltmp4, $4  }
0x3c: {  	[tilespmem:s31+$0xFFFFFFF0] =	vst v60  }
0x3d: {  	[tilespmem:s31+$0x0] =	vst v61  }
0x3e: {  	[tilespmem:s31+$0x10] =	vst v62  }
0x3f: {  	s10 =	sadd.s32 $0x80, s10;
	s11 =	sadd.s32 $0x400, s11;
	[tilespmem:s31+$0x20] =	vst v63  }
.Ltmp5:
0x40: {  	(pc) =	sbr.rel .LBB1_7-.Ltmp5, $4  }
0x41: {  	_ = 	snop  }
0x42: {  	s9 =	sshll.u32 s9, $0xB  }
0x43: {  	s9 =	sadd.s32 s3, s9  }
0x44: {  	[hbm4b:s9+s6] =	stream.linear.scatter [tilespmem:s12], [sflag:$0x2], $0x4000, $0x38;
	[tilespmem:$0x10000] =	vst v63  }
.LBB1_8:
0x45: {  	_ =	sfence.sel $0x180000  }
0x46: {  	s2 =	simm.s32 $0x1;
	[bflag:$0x0] =	sbarrier.arrive $0xFFFF  }
0x47: {  	s31 =	simm.s32 $0x2;
	[sflag:s2] =	ssyncpa.u1 $0x1  }
0x48: {  	[sflag:s31] =	ssyncpa.u1 $0x1  }
0x49: {  	p0 =	sne.s32 s1, $0x0;
	_ =	strace $0x90000047  }
0x4a: {  	s0 =	sadd.s32 @!p0 $0x100000, s0;
	[bflag:$0x2] =	sbarrier.arrive $0xFFFF  }
0x4b: {  	[sflag:s0] =	ssyncadd.tile.s32 @!p0 $0x1;
	_ =	shalt  }
.Lfunc_end1:
_tile_overlayer_lowered:
.L_overlay_start_2:
0x4c: {  	(tag) =	ssettag $0x2  }
0x4d: {  	s0 =	rddreg [dreg:$0x0];
	s2 =	stileid.u32  }
0x4e: {  	s1 =	rddreg [dreg:$0x1];
	p0 =	sne.s32 s2, $0x0  }
0x4f: {  	s3 =	rddreg [dreg:$0x2];
	[bflag:$0x3] =	sbarrier.arrive $0xFFFF;
	s2 =	simm.s32 @!p0 $0x1C01  }
0x50: {  	[timem:s3], [sflag:s2] =	dma.local @!p0 [hbm:s0], s1  }
0x51: {  	s0 =	simm.s32 @!p0 $0x1  }
0x52: {  	_ =	swait.ge @!p0 [sflag:s0], s1  }
0x53: {  	s1 =	ssub.s32 @!p0 $0x0, s1;
	[sflag:s0] =	ssyncset.done @!p0 $0x0  }
0x54: {  	[sflag:s0] =	ssyncadd.s32 @!p0 s1  }
0x55: {  	[bflag:$0x3] =	sbarrier.arrive $0xFFFF  }
0x56: {  	_ =	shalt  }

</sc_bundles>
